<compile_context>
chip_gen: v7x
topology: tpu7x:2x2x1
jax: 0.10.2.dev20260603
libtpu: 0.0.44.dev20260713+nightly
codegen_flags: <defaults>
</compile_context>

<pallas_src>
import functools
import jax
import jax.numpy as jnp
from jax import lax
from jax.experimental import pallas as pl
from jax.experimental.pallas import tpu as pltpu
from jax.experimental.pallas import tpu_sc as plsc

H = 192
NBINS = 512
ROWS = 1024
NC, NS = 2, 16
NW = NC * NS


def _mlp_kernel(h0_ref, h1_ref, h2_ref, h3_ref, cnt_ref, t2h_ref, t2l_ref,
                w1_ref, b1_ref, lng_ref, lnb_ref, w2_ref, b2_ref,
                w3_ref, b3_ref, wa_ref, ba_ref, wv_ref, bv_ref, out_ref):
    cnt = jnp.maximum(cnt_ref[...], 1.0)
    ddot = lambda a, b: jnp.dot(a, b, preferred_element_type=jnp.float32)

    def xdot(a, b):
        ah = a.astype(jnp.bfloat16)
        al = (a - ah.astype(jnp.float32)).astype(jnp.bfloat16)
        bh = b.astype(jnp.bfloat16)
        return ddot(ah, bh) + ddot(al, bh)

    rows = cnt_ref.shape[0]
    summary = None
    for g, hg_ref in enumerate((h0_ref, h1_ref, h2_ref, h3_ref)):
        hg = hg_ref[...].reshape(rows, 128)
        t2h_g = t2h_ref[g * 128:(g + 1) * 128, :]
        t2l_g = t2l_ref[g * 128:(g + 1) * 128, :]
        hh = hg.astype(jnp.bfloat16)
        hl = (hg - hh.astype(jnp.float32)).astype(jnp.bfloat16)
        part = (ddot(hh, t2h_g) + ddot(hh, t2l_g) + ddot(hl, t2h_g))
        summary = part if summary is None else summary + part
    summary = summary / jnp.sqrt(cnt)

    h = jnp.maximum(xdot(summary, w1_ref[...]) + b1_ref[...], 0.0)
    mu = jnp.mean(h, axis=-1, keepdims=True)
    var = jnp.mean((h - mu) ** 2, axis=-1, keepdims=True)
    h = (h - mu) / jnp.sqrt(var + 1e-5) * lng_ref[...] + lnb_ref[...]
    h = jnp.maximum(xdot(h, w2_ref[...]) + b2_ref[...], 0.0)
    h = jnp.maximum(xdot(h, w3_ref[...]) + b3_ref[...], 0.0)
    logits = xdot(h, wa_ref[...]) + ba_ref[...]
    hh2 = h.astype(jnp.bfloat16)
    hl2 = (h - hh2.astype(jnp.float32)).astype(jnp.bfloat16)
    wvh = wv_ref[...].astype(jnp.bfloat16)
    wvl = (wv_ref[...] - wvh.astype(jnp.float32)).astype(jnp.bfloat16)
    values = (ddot(hh2, wvh) + ddot(hh2, wvl) + ddot(hl2, wvh)
              + bv_ref[...])
    out_ref[...] = jnp.concatenate([logits, values], axis=1)


def _make_sc_hist(B, T):
    rows_per_w = B // NW
    NSUP = rows_per_w // 128
    TCH = 40
    NCH = T // TCH

    mesh = plsc.VectorSubcoreMesh(core_axis_name="c", subcore_axis_name="s")

    @functools.partial(
        pl.kernel,
        mesh=mesh,
        out_type=[
            jax.ShapeDtypeStruct((B * NBINS,), jnp.float32),
            jax.ShapeDtypeStruct((B,), jnp.float32),
        ],
        scratch_types=[
            pltpu.VMEM((3 * TCH, 128), jnp.int32),
            pltpu.VMEM((256,), jnp.float32),
            pltpu.VMEM((256,), jnp.float32),
            pltpu.VMEM((128 * NBINS,), jnp.float32),
            pltpu.VMEM((rows_per_w,), jnp.float32),
            pltpu.SemaphoreType.DMA,
            pltpu.SemaphoreType.DMA,
            pltpu.SemaphoreType.DMA,
            pltpu.SemaphoreType.DMA,
        ],
        compiler_params=pltpu.CompilerParams(needs_layout_passes=False),
    )
    def sc_hist(ct_hbm, ft_hbm, vt_hbm, fs_hbm, hist_hbm, cnt_hbm,
                obs_v, fs_v, invs_v, hist_v, cnt_v, sout, sc0, sc1, sc2):
        wid = lax.axis_index("s") * NC + lax.axis_index("c")
        pltpu.sync_copy(fs_hbm, fs_v)
        for j in range(16):
            sl = pl.ds(j * 16, 16)
            invs_v[sl] = 1.0 / (fs_v[sl] + 1e-6)
        for j in range(rows_per_w // 16):
            cnt_v[pl.ds(j * 16, 16)] = jnp.zeros((16,), jnp.float32)

        lane = lax.iota(jnp.int32, 16)
        lane_tile = (lane // 8) * (8 * NBINS) + (lane % 8) * 128
        base0 = wid * rows_per_w

        def hist_copy(sup):
            return pltpu.make_async_copy(
                hist_v,
                hist_hbm.at[pl.ds((base0 + sup * 128) * NBINS, 128 * NBINS)],
                sout)

        def sup_body(sup, _):
            bcol = base0 + sup * 128

            def zbody(j, _):
                hist_v[pl.ds(j * 16, 16)] = jnp.zeros((16,), jnp.float32)
                return 0
            lax.fori_loop(0, 128 * NBINS // 16, zbody, 0, unroll=8)

            def ch_body(ch, _):
                t0 = ch * TCH
                cps = [
                    pltpu.make_async_copy(
                        ct_hbm.at[pl.ds(t0, TCH), pl.ds(bcol, 128)],
                        obs_v.at[pl.ds(0, TCH), :], sc0),
                    pltpu.make_async_copy(
                        ft_hbm.at[pl.ds(t0, TCH), pl.ds(bcol, 128)],
                        obs_v.at[pl.ds(TCH, TCH), :], sc1),
                    pltpu.make_async_copy(
                        vt_hbm.at[pl.ds(t0, TCH), pl.ds(bcol, 128)],
                        obs_v.at[pl.ds(2 * TCH, TCH), :], sc2),
                ]
                for cp in cps:
                    cp.start()
                for cp in cps:
                    cp.wait()

                def tbody(t, accs):
                    new_accs = []
                    for sb in range(8):
                        bsl = pl.ds(sb * 16, 16)
                        c = obs_v[t, bsl]
                        f = obs_v[t + TCH, bsl]
                        v = obs_v[t + 2 * TCH, bsl]
                        f = jnp.clip(f, 0, 255)
                        isc = plsc.load_gather(invs_v, [f])
                        valid = c != 255
                        w = jnp.where(valid, v.astype(jnp.float32),
                                      0.0) * isc
                        cbin = ((c >> 4) & 15) * 16 + (c & 15)
                        fbin = 256 + f
                        base_sb = lane_tile + sb * 8192
                        ca = base_sb + ((cbin >> 7) << 10) + (cbin & 127)
                        fa = base_sb + ((fbin >> 7) << 10) + (fbin & 127)
                        plsc.addupdate_scatter(hist_v, [ca], w)
                        plsc.addupdate_scatter(hist_v, [fa], w)
                        new_accs.append(
                            accs[sb] + jnp.where(valid, 1.0, 0.0))
                    return tuple(new_accs)

                accs = lax.fori_loop(
                    0, TCH, tbody,
                    tuple(jnp.zeros((16,), jnp.float32) for _ in range(8)))
                for sb in range(8):
                    csl = pl.ds(sup * 128 + sb * 16, 16)
                    cnt_v[csl] = cnt_v[csl] + accs[sb]
                return 0

            lax.fori_loop(0, NCH, ch_body, 0)
            hist_copy(sup).start()
            hist_copy(sup).wait()
            return 0

        lax.fori_loop(0, NSUP, sup_body, 0)
        pltpu.sync_copy(cnt_v, cnt_hbm.at[pl.ds(base0, rows_per_w)])

    return sc_hist


def kernel(observations, pos_x, pos_y, feat_embed, feature_scale, W1, b1,
           ln_g, ln_b, W2, b2, W3, b3, Wa, ba, Wv, bv):
    B, T, _ = observations.shape
    ct = observations[:, :, 0].T
    ft = observations[:, :, 1].T
    vt = observations[:, :, 2].T

    hist_flat, cnt = _make_sc_hist(B, T)(ct, ft, vt, feature_scale)
    hist3 = hist_flat.reshape(B // 8, 4 * 8, 128)
    cnt2 = cnt.reshape(B, 1)

    pos_xy = (pos_x[:16, None, :] + pos_y[None, :16, :]).reshape(256, H)
    t2 = jnp.concatenate([pos_xy, feat_embed], axis=0)
    t2h = t2.astype(jnp.bfloat16)
    t2l = (t2 - t2h.astype(jnp.float32)).astype(jnp.bfloat16)
    na = Wa.shape[1]
    nout = na + 1

    rows = min(ROWS, B)
    grid = (B // rows,)
    full = lambda shape: pl.BlockSpec(shape, lambda i: (0, 0))

    out = pl.pallas_call(
        _mlp_kernel,
        grid=grid,
        in_specs=[
            pl.BlockSpec((rows // 8, 8, 128), lambda i: (i, 0, 0)),
            pl.BlockSpec((rows // 8, 8, 128), lambda i: (i, 1, 0)),
            pl.BlockSpec((rows // 8, 8, 128), lambda i: (i, 2, 0)),
            pl.BlockSpec((rows // 8, 8, 128), lambda i: (i, 3, 0)),
            pl.BlockSpec((rows, 1), lambda i: (i, 0)),
            full((NBINS, H)), full((NBINS, H)),
            full((H, H)), full((1, H)), full((1, H)), full((1, H)),
            full((H, H)), full((1, H)),
            full((H, H)), full((1, H)),
            full((H, na)), full((1, na)), full((H, 1)), full((1, 1)),
        ],
        out_specs=pl.BlockSpec((rows, nout), lambda i: (i, 0)),
        out_shape=jax.ShapeDtypeStruct((B, nout), jnp.float32),
    )(hist3, hist3, hist3, hist3, cnt2, t2h, t2l,
      W1, b1.reshape(1, H), ln_g.reshape(1, H), ln_b.reshape(1, H),
      W2, b2.reshape(1, H), W3, b3.reshape(1, H),
      Wa, ba.reshape(1, na), Wv, bv.reshape(1, 1))

    l0 = out[:, :9]
    l1 = out[:, 9:19]
    values = out[:, 19:20]
    return (l0, l1, values)

# --- scband reference (transcript-rebuilt; emitter-appended) ---
"""Pipeline reference for scband-basic-policy-net-32676111188196 (READ-ONLY COPY).

The authoritative reference and input builder live on the scoring server;
editing this copy changes nothing except your own understanding.
"""

import jax, jax.numpy as jnp
import numpy as np

H = 192
NUM_FEAT = 256
ACTION_NVEC = (9, 10)
B, T = 16384, 200


def setup_inputs(seed: int = 0) -> dict:
    key = jax.random.key(seed)
    ks = jax.random.split(key, 20)
    obs = jax.random.randint(ks[0], (B, T, 3), 0, 256, dtype=jnp.int32)
    s = 0.02
    inp = {
        'observations': obs,
        'pos_x': jax.random.normal(ks[1], (256, H), dtype=jnp.float32) * s,
        'pos_y': jax.random.normal(ks[2], (256, H), dtype=jnp.float32) * s,
        'feat_embed': jax.random.normal(ks[3], (NUM_FEAT, H), dtype=jnp.float32) * s,
        'feature_scale': jnp.ones((NUM_FEAT,), dtype=jnp.float32),
        'W1': jax.random.normal(ks[4], (H, H), dtype=jnp.float32) * s,
        'b1': jnp.zeros((H,), dtype=jnp.float32),
        'ln_g': jnp.ones((H,), dtype=jnp.float32),
        'ln_b': jnp.zeros((H,), dtype=jnp.float32),
        'W2': jax.random.normal(ks[5], (H, H), dtype=jnp.float32) * s,
        'b2': jnp.zeros((H,), dtype=jnp.float32),
        'W3': jax.random.normal(ks[6], (H, H), dtype=jnp.float32) * s,
        'b3': jnp.zeros((H,), dtype=jnp.float32),
        'Wa': jax.random.normal(ks[7], (H, sum(ACTION_NVEC)), dtype=jnp.float32) * s,
        'ba': jnp.zeros((sum(ACTION_NVEC),), dtype=jnp.float32),
        'Wv': jax.random.normal(ks[8], (H, 1), dtype=jnp.float32) * s,
        'bv': jnp.zeros((1,), dtype=jnp.float32),
    }
    return inp


def reference(observations, pos_x, pos_y, feat_embed, feature_scale, W1, b1, ln_g, ln_b, W2, b2, W3, b3, Wa, ba, Wv, bv):
    coords = observations[..., 0]
    feats = observations[..., 1]
    vals = observations[..., 2].astype(jnp.float32)
    valid = coords != 255
    x = (coords >> 4) & 15
    y = coords & 15
    fc = jnp.clip(feats, 0, NUM_FEAT - 1)
    te = jnp.take(pos_x, x, axis=0) + jnp.take(pos_y, y, axis=0) + jnp.take(feat_embed, fc, axis=0)
    scale = jnp.take(feature_scale, fc, axis=0)
    sv = (vals / (scale + 1e-6))[..., None]
    te = te * sv
    te = te * valid[..., None].astype(te.dtype)
    summary = te.sum(axis=-2)
    cnt = jnp.clip(valid.sum(axis=-1, keepdims=True), 1, None).astype(jnp.float32)
    summary = summary / jnp.sqrt(cnt)
    h = jax.nn.relu(summary @ W1 + b1)
    mu = h.mean(axis=-1, keepdims=True)
    var = ((h - mu) ** 2).mean(axis=-1, keepdims=True)
    h = (h - mu) / jnp.sqrt(var + 1e-5) * ln_g + ln_b
    h = jax.nn.relu(h @ W2 + b2)
    h = jax.nn.relu(h @ W3 + b3)
    logits = h @ Wa + ba
    l0 = logits[:, :ACTION_NVEC[0]]
    l1 = logits[:, ACTION_NVEC[0]:ACTION_NVEC[0] + ACTION_NVEC[1]]
    values = h @ Wv + bv
    return (l0, l1, values)

if __name__ == "__main__":
    import jax
    _d = setup_inputs()
    print(jax.jit(kernel)(*tuple(_d.values())))

</pallas_src>

<mosaic_0001>
#map = affine_map<(d0, d1) -> (0, 0)>
#map1 = affine_map<(d0, d1) -> (0)>
module attributes {stable_mosaic.version = 14 : i64} {
  func.func @sc_hist(%arg0: i32, %arg1: i32, %arg2: memref<200x16384xi32, #tpu.memory_space<hbm>>, %arg3: memref<200x16384xi32, #tpu.memory_space<hbm>>, %arg4: memref<200x16384xi32, #tpu.memory_space<hbm>>, %arg5: memref<256xf32, #tpu.memory_space<hbm>>, %arg6: memref<8388608xf32, #tpu.memory_space<hbm>>, %arg7: memref<16384xf32, #tpu.memory_space<hbm>>, %arg8: memref<120x128xi32, #tpu.memory_space<vmem>>, %arg9: memref<256xf32, #tpu.memory_space<vmem>>, %arg10: memref<256xf32, #tpu.memory_space<vmem>>, %arg11: memref<65536xf32, #tpu.memory_space<vmem>>, %arg12: memref<512xf32, #tpu.memory_space<vmem>>, %arg13: memref<!tpu.dma_semaphore, #tpu.memory_space<semaphore_mem>>, %arg14: memref<!tpu.dma_semaphore, #tpu.memory_space<semaphore_mem>>, %arg15: memref<!tpu.dma_semaphore, #tpu.memory_space<semaphore_mem>>, %arg16: memref<!tpu.dma_semaphore, #tpu.memory_space<semaphore_mem>>) attributes {dimension_semantics = [#tpu.dimension_semantics<core_parallel>, #tpu.dimension_semantics<subcore_parallel>], iteration_bounds = array<i64: 2, 16>, scalar_prefetch = 0 : i64, scratch_operands = 9 : i64, tpu.core_type = #tpu.core_type<sc_vector_subcore>, window_params = [{transform_indices = #map}, {transform_indices = #map}, {transform_indices = #map}, {transform_indices = #map1}, {transform_indices = #map1}, {transform_indices = #map1}]} {
    %mul3A = arith.constant 2 : i32
    %mul3A_0 = arith.muli %arg1, %mul3A : i32
    %add3A = arith.addi %mul3A_0, %arg0 : i32
    "tpu.region"() ({
      %run_scoped3A = tpu.sem_alloc : memref<!tpu.dma_semaphore, #tpu.memory_space<semaphore_mem>>
      tpu.enqueue_dma source(%arg5 : memref<256xf32, #tpu.memory_space<hbm>>) target(%arg9 : memref<256xf32, #tpu.memory_space<vmem>>) target_semaphore(%run_scoped3A : memref<!tpu.dma_semaphore, #tpu.memory_space<semaphore_mem>>)
      tpu.wait_dma2 semaphore(%run_scoped3A : memref<!tpu.dma_semaphore, #tpu.memory_space<semaphore_mem>>) src(%arg5 : memref<256xf32, #tpu.memory_space<hbm>>) dst(%arg9 : memref<256xf32, #tpu.memory_space<vmem>>)
      tpu.yield
    }) : () -> ()
    %get3A = arith.constant 0 : index
    %get3A_1 = tpu.vector_load %arg9[%get3A] {strides = array<i32>} : memref<256xf32, #tpu.memory_space<vmem>>, vector<16xf32>,
    %add3A_2 = arith.constant 9.99999997E-7 : f32
    %add3A_3 = vector.broadcast %add3A_2 : f32 to vector<16xf32>
    %add3A_4 = arith.addf %get3A_1, %add3A_3 : vector<16xf32>
    %div3A = arith.constant 1.000000e+00 : f32
    %div3A_5 = vector.broadcast %div3A : f32 to vector<16xf32>
    %div3A_6 = arith.divf %div3A_5, %add3A_4 : vector<16xf32>
    %swap3A = arith.constant 0 : index
    %swap3A_7 = tpu.vector_load %arg10[%swap3A] {strides = array<i32>} : memref<256xf32, #tpu.memory_space<vmem>>, vector<16xf32>,
    tpu.vector_store %arg10[%swap3A], %div3A_6 {strides = array<i32>} : memref<256xf32, #tpu.memory_space<vmem>>, vector<16xf32>,
    %get3A_8 = arith.constant 16 : index
    %get3A_9 = tpu.vector_load %arg9[%get3A_8] {strides = array<i32>} : memref<256xf32, #tpu.memory_space<vmem>>, vector<16xf32>,
    %add3A_10 = arith.constant 9.99999997E-7 : f32
    %add3A_11 = vector.broadcast %add3A_10 : f32 to vector<16xf32>
    %add3A_12 = arith.addf %get3A_9, %add3A_11 : vector<16xf32>
    %div3A_13 = arith.constant 1.000000e+00 : f32
    %div3A_14 = vector.broadcast %div3A_13 : f32 to vector<16xf32>
    %div3A_15 = arith.divf %div3A_14, %add3A_12 : vector<16xf32>
    %swap3A_16 = arith.constant 16 : index
    %swap3A_17 = tpu.vector_load %arg10[%swap3A_16] {strides = array<i32>} : memref<256xf32, #tpu.memory_space<vmem>>, vector<16xf32>,
    tpu.vector_store %arg10[%swap3A_16], %div3A_15 {strides = array<i32>} : memref<256xf32, #tpu.memory_space<vmem>>, vector<16xf32>,
    %get3A_18 = arith.constant 32 : index
    %get3A_19 = tpu.vector_load %arg9[%get3A_18] {strides = array<i32>} : memref<256xf32, #tpu.memory_space<vmem>>, vector<16xf32>,
    %add3A_20 = arith.constant 9.99999997E-7 : f32
    %add3A_21 = vector.broadcast %add3A_20 : f32 to vector<16xf32>
    %add3A_22 = arith.addf %get3A_19, %add3A_21 : vector<16xf32>
    %div3A_23 = arith.constant 1.000000e+00 : f32
    %div3A_24 = vector.broadcast %div3A_23 : f32 to vector<16xf32>
    %div3A_25 = arith.divf %div3A_24, %add3A_22 : vector<16xf32>
    %swap3A_26 = arith.constant 32 : index
    %swap3A_27 = tpu.vector_load %arg10[%swap3A_26] {strides = array<i32>} : memref<256xf32, #tpu.memory_space<vmem>>, vector<16xf32>,
    tpu.vector_store %arg10[%swap3A_26], %div3A_25 {strides = array<i32>} : memref<256xf32, #tpu.memory_space<vmem>>, vector<16xf32>,
    %get3A_28 = arith.constant 48 : index
    %get3A_29 = tpu.vector_load %arg9[%get3A_28] {strides = array<i32>} : memref<256xf32, #tpu.memory_space<vmem>>, vector<16xf32>,
    %add3A_30 = arith.constant 9.99999997E-7 : f32
    %add3A_31 = vector.broadcast %add3A_30 : f32 to vector<16xf32>
    %add3A_32 = arith.addf %get3A_29, %add3A_31 : vector<16xf32>
    %div3A_33 = arith.constant 1.000000e+00 : f32
    %div3A_34 = vector.broadcast %div3A_33 : f32 to vector<16xf32>
    %div3A_35 = arith.divf %div3A_34, %add3A_32 : vector<16xf32>
    %swap3A_36 = arith.constant 48 : index
    %swap3A_37 = tpu.vector_load %arg10[%swap3A_36] {strides = array<i32>} : memref<256xf32, #tpu.memory_space<vmem>>, vector<16xf32>,
    tpu.vector_store %arg10[%swap3A_36], %div3A_35 {strides = array<i32>} : memref<256xf32, #tpu.memory_space<vmem>>, vector<16xf32>,
    %get3A_38 = arith.constant 64 : index
    %get3A_39 = tpu.vector_load %arg9[%get3A_38] {strides = array<i32>} : memref<256xf32, #tpu.memory_space<vmem>>, vector<16xf32>,
    %add3A_40 = arith.constant 9.99999997E-7 : f32
    %add3A_41 = vector.broadcast %add3A_40 : f32 to vector<16xf32>
    %add3A_42 = arith.addf %get3A_39, %add3A_41 : vector<16xf32>
    %div3A_43 = arith.constant 1.000000e+00 : f32
    %div3A_44 = vector.broadcast %div3A_43 : f32 to vector<16xf32>
    %div3A_45 = arith.divf %div3A_44, %add3A_42 : vector<16xf32>
    %swap3A_46 = arith.constant 64 : index
    %swap3A_47 = tpu.vector_load %arg10[%swap3A_46] {strides = array<i32>} : memref<256xf32, #tpu.memory_space<vmem>>, vector<16xf32>,
    tpu.vector_store %arg10[%swap3A_46], %div3A_45 {strides = array<i32>} : memref<256xf32, #tpu.memory_space<vmem>>, vector<16xf32>,
    %get3A_48 = arith.constant 80 : index
    %get3A_49 = tpu.vector_load %arg9[%get3A_48] {strides = array<i32>} : memref<256xf32, #tpu.memory_space<vmem>>, vector<16xf32>,
    %add3A_50 = arith.constant 9.99999997E-7 : f32
    %add3A_51 = vector.broadcast %add3A_50 : f32 to vector<16xf32>
    %add3A_52 = arith.addf %get3A_49, %add3A_51 : vector<16xf32>
    %div3A_53 = arith.constant 1.000000e+00 : f32
    %div3A_54 = vector.broadcast %div3A_53 : f32 to vector<16xf32>
    %div3A_55 = arith.divf %div3A_54, %add3A_52 : vector<16xf32>
    %swap3A_56 = arith.constant 80 : index
    %swap3A_57 = tpu.vector_load %arg10[%swap3A_56] {strides = array<i32>} : memref<256xf32, #tpu.memory_space<vmem>>, vector<16xf32>,
    tpu.vector_store %arg10[%swap3A_56], %div3A_55 {strides = array<i32>} : memref<256xf32, #tpu.memory_space<vmem>>, vector<16xf32>,
    %get3A_58 = arith.constant 96 : index
    %get3A_59 = tpu.vector_load %arg9[%get3A_58] {strides = array<i32>} : memref<256xf32, #tpu.memory_space<vmem>>, vector<16xf32>,
    %add3A_60 = arith.constant 9.99999997E-7 : f32
    %add3A_61 = vector.broadcast %add3A_60 : f32 to vector<16xf32>
    %add3A_62 = arith.addf %get3A_59, %add3A_61 : vector<16xf32>
    %div3A_63 = arith.constant 1.000000e+00 : f32
    %div3A_64 = vector.broadcast %div3A_63 : f32 to vector<16xf32>
    %div3A_65 = arith.divf %div3A_64, %add3A_62 : vector<16xf32>
    %swap3A_66 = arith.constant 96 : index
    %swap3A_67 = tpu.vector_load %arg10[%swap3A_66] {strides = array<i32>} : memref<256xf32, #tpu.memory_space<vmem>>, vector<16xf32>,
    tpu.vector_store %arg10[%swap3A_66], %div3A_65 {strides = array<i32>} : memref<256xf32, #tpu.memory_space<vmem>>, vector<16xf32>,
    %get3A_68 = arith.constant 112 : index
    %get3A_69 = tpu.vector_load %arg9[%get3A_68] {strides = array<i32>} : memref<256xf32, #tpu.memory_space<vmem>>, vector<16xf32>,
    %add3A_70 = arith.constant 9.99999997E-7 : f32
    %add3A_71 = vector.broadcast %add3A_70 : f32 to vector<16xf32>
    %add3A_72 = arith.addf %get3A_69, %add3A_71 : vector<16xf32>
    %div3A_73 = arith.constant 1.000000e+00 : f32
    %div3A_74 = vector.broadcast %div3A_73 : f32 to vector<16xf32>
    %div3A_75 = arith.divf %div3A_74, %add3A_72 : vector<16xf32>
    %swap3A_76 = arith.constant 112 : index
    %swap3A_77 = tpu.vector_load %arg10[%swap3A_76] {strides = array<i32>} : memref<256xf32, #tpu.memory_space<vmem>>, vector<16xf32>,
    tpu.vector_store %arg10[%swap3A_76], %div3A_75 {strides = array<i32>} : memref<256xf32, #tpu.memory_space<vmem>>, vector<16xf32>,
    %get3A_78 = arith.constant 128 : index
    %get3A_79 = tpu.vector_load %arg9[%get3A_78] {strides = array<i32>} : memref<256xf32, #tpu.memory_space<vmem>>, vector<16xf32>,
    %add3A_80 = arith.constant 9.99999997E-7 : f32
    %add3A_81 = vector.broadcast %add3A_80 : f32 to vector<16xf32>
    %add3A_82 = arith.addf %get3A_79, %add3A_81 : vector<16xf32>
    %div3A_83 = arith.constant 1.000000e+00 : f32
    %div3A_84 = vector.broadcast %div3A_83 : f32 to vector<16xf32>
    %div3A_85 = arith.divf %div3A_84, %add3A_82 : vector<16xf32>
    %swap3A_86 = arith.constant 128 : index
    %swap3A_87 = tpu.vector_load %arg10[%swap3A_86] {strides = array<i32>} : memref<256xf32, #tpu.memory_space<vmem>>, vector<16xf32>,
    tpu.vector_store %arg10[%swap3A_86], %div3A_85 {strides = array<i32>} : memref<256xf32, #tpu.memory_space<vmem>>, vector<16xf32>,
    %get3A_88 = arith.constant 144 : index
    %get3A_89 = tpu.vector_load %arg9[%get3A_88] {strides = array<i32>} : memref<256xf32, #tpu.memory_space<vmem>>, vector<16xf32>,
    %add3A_90 = arith.constant 9.99999997E-7 : f32
    %add3A_91 = vector.broadcast %add3A_90 : f32 to vector<16xf32>
    %add3A_92 = arith.addf %get3A_89, %add3A_91 : vector<16xf32>
    %div3A_93 = arith.constant 1.000000e+00 : f32
    %div3A_94 = vector.broadcast %div3A_93 : f32 to vector<16xf32>
    %div3A_95 = arith.divf %div3A_94, %add3A_92 : vector<16xf32>
    %swap3A_96 = arith.constant 144 : index
    %swap3A_97 = tpu.vector_load %arg10[%swap3A_96] {strides = array<i32>} : memref<256xf32, #tpu.memory_space<vmem>>, vector<16xf32>,
    tpu.vector_store %arg10[%swap3A_96], %div3A_95 {strides = array<i32>} : memref<256xf32, #tpu.memory_space<vmem>>, vector<16xf32>,
    %get3A_98 = arith.constant 160 : index
    %get3A_99 = tpu.vector_load %arg9[%get3A_98] {strides = array<i32>} : memref<256xf32, #tpu.memory_space<vmem>>, vector<16xf32>,
    %add3A_100 = arith.constant 9.99999997E-7 : f32
    %add3A_101 = vector.broadcast %add3A_100 : f32 to vector<16xf32>
    %add3A_102 = arith.addf %get3A_99, %add3A_101 : vector<16xf32>
    %div3A_103 = arith.constant 1.000000e+00 : f32
    %div3A_104 = vector.broadcast %div3A_103 : f32 to vector<16xf32>
    %div3A_105 = arith.divf %div3A_104, %add3A_102 : vector<16xf32>
    %swap3A_106 = arith.constant 160 : index
    %swap3A_107 = tpu.vector_load %arg10[%swap3A_106] {strides = array<i32>} : memref<256xf32, #tpu.memory_space<vmem>>, vector<16xf32>,
    tpu.vector_store %arg10[%swap3A_106], %div3A_105 {strides = array<i32>} : memref<256xf32, #tpu.memory_space<vmem>>, vector<16xf32>,
    %get3A_108 = arith.constant 176 : index
    %get3A_109 = tpu.vector_load %arg9[%get3A_108] {strides = array<i32>} : memref<256xf32, #tpu.memory_space<vmem>>, vector<16xf32>,
    %add3A_110 = arith.constant 9.99999997E-7 : f32
    %add3A_111 = vector.broadcast %add3A_110 : f32 to vector<16xf32>
    %add3A_112 = arith.addf %get3A_109, %add3A_111 : vector<16xf32>
    %div3A_113 = arith.constant 1.000000e+00 : f32
    %div3A_114 = vector.broadcast %div3A_113 : f32 to vector<16xf32>
    %div3A_115 = arith.divf %div3A_114, %add3A_112 : vector<16xf32>
    %swap3A_116 = arith.constant 176 : index
    %swap3A_117 = tpu.vector_load %arg10[%swap3A_116] {strides = array<i32>} : memref<256xf32, #tpu.memory_space<vmem>>, vector<16xf32>,
    tpu.vector_store %arg10[%swap3A_116], %div3A_115 {strides = array<i32>} : memref<256xf32, #tpu.memory_space<vmem>>, vector<16xf32>,
    %get3A_118 = arith.constant 192 : index
    %get3A_119 = tpu.vector_load %arg9[%get3A_118] {strides = array<i32>} : memref<256xf32, #tpu.memory_space<vmem>>, vector<16xf32>,
    %add3A_120 = arith.constant 9.99999997E-7 : f32
    %add3A_121 = vector.broadcast %add3A_120 : f32 to vector<16xf32>
    %add3A_122 = arith.addf %get3A_119, %add3A_121 : vector<16xf32>
    %div3A_123 = arith.constant 1.000000e+00 : f32
    %div3A_124 = vector.broadcast %div3A_123 : f32 to vector<16xf32>
    %div3A_125 = arith.divf %div3A_124, %add3A_122 : vector<16xf32>
    %swap3A_126 = arith.constant 192 : index
    %swap3A_127 = tpu.vector_load %arg10[%swap3A_126] {strides = array<i32>} : memref<256xf32, #tpu.memory_space<vmem>>, vector<16xf32>,
    tpu.vector_store %arg10[%swap3A_126], %div3A_125 {strides = array<i32>} : memref<256xf32, #tpu.memory_space<vmem>>, vector<16xf32>,
    %get3A_128 = arith.constant 208 : index
    %get3A_129 = tpu.vector_load %arg9[%get3A_128] {strides = array<i32>} : memref<256xf32, #tpu.memory_space<vmem>>, vector<16xf32>,
    %add3A_130 = arith.constant 9.99999997E-7 : f32
    %add3A_131 = vector.broadcast %add3A_130 : f32 to vector<16xf32>
    %add3A_132 = arith.addf %get3A_129, %add3A_131 : vector<16xf32>
    %div3A_133 = arith.constant 1.000000e+00 : f32
    %div3A_134 = vector.broadcast %div3A_133 : f32 to vector<16xf32>
    %div3A_135 = arith.divf %div3A_134, %add3A_132 : vector<16xf32>
    %swap3A_136 = arith.constant 208 : index
    %swap3A_137 = tpu.vector_load %arg10[%swap3A_136] {strides = array<i32>} : memref<256xf32, #tpu.memory_space<vmem>>, vector<16xf32>,
    tpu.vector_store %arg10[%swap3A_136], %div3A_135 {strides = array<i32>} : memref<256xf32, #tpu.memory_space<vmem>>, vector<16xf32>,
    %get3A_138 = arith.constant 224 : index
    %get3A_139 = tpu.vector_load %arg9[%get3A_138] {strides = array<i32>} : memref<256xf32, #tpu.memory_space<vmem>>, vector<16xf32>,
    %add3A_140 = arith.constant 9.99999997E-7 : f32
    %add3A_141 = vector.broadcast %add3A_140 : f32 to vector<16xf32>
    %add3A_142 = arith.addf %get3A_139, %add3A_141 : vector<16xf32>
    %div3A_143 = arith.constant 1.000000e+00 : f32
    %div3A_144 = vector.broadcast %div3A_143 : f32 to vector<16xf32>
    %div3A_145 = arith.divf %div3A_144, %add3A_142 : vector<16xf32>
    %swap3A_146 = arith.constant 224 : index
    %swap3A_147 = tpu.vector_load %arg10[%swap3A_146] {strides = array<i32>} : memref<256xf32, #tpu.memory_space<vmem>>, vector<16xf32>,
    tpu.vector_store %arg10[%swap3A_146], %div3A_145 {strides = array<i32>} : memref<256xf32, #tpu.memory_space<vmem>>, vector<16xf32>,
    %get3A_148 = arith.constant 240 : index
    %get3A_149 = tpu.vector_load %arg9[%get3A_148] {strides = array<i32>} : memref<256xf32, #tpu.memory_space<vmem>>, vector<16xf32>,
    %add3A_150 = arith.constant 9.99999997E-7 : f32
    %add3A_151 = vector.broadcast %add3A_150 : f32 to vector<16xf32>
    %add3A_152 = arith.addf %get3A_149, %add3A_151 : vector<16xf32>
    %div3A_153 = arith.constant 1.000000e+00 : f32
    %div3A_154 = vector.broadcast %div3A_153 : f32 to vector<16xf32>
    %div3A_155 = arith.divf %div3A_154, %add3A_152 : vector<16xf32>
    %swap3A_156 = arith.constant 240 : index
    %swap3A_157 = tpu.vector_load %arg10[%swap3A_156] {strides = array<i32>} : memref<256xf32, #tpu.memory_space<vmem>>, vector<16xf32>,
    tpu.vector_store %arg10[%swap3A_156], %div3A_155 {strides = array<i32>} : memref<256xf32, #tpu.memory_space<vmem>>, vector<16xf32>,
    %broadcast_in_dim3A = arith.constant 0.000000e+00 : f32
    %broadcast_in_dim3A_158 = vector.broadcast %broadcast_in_dim3A : f32 to vector<16xf32>
    %swap3A_159 = arith.constant 0 : index
    %swap3A_160 = tpu.vector_load %arg12[%swap3A_159] {strides = array<i32>} : memref<512xf32, #tpu.memory_space<vmem>>, vector<16xf32>,
    tpu.vector_store %arg12[%swap3A_159], %broadcast_in_dim3A_158 {strides = array<i32>} : memref<512xf32, #tpu.memory_space<vmem>>, vector<16xf32>,
    %broadcast_in_dim3A_161 = arith.constant 0.000000e+00 : f32
    %broadcast_in_dim3A_162 = vector.broadcast %broadcast_in_dim3A_161 : f32 to vector<16xf32>
    %swap3A_163 = arith.constant 16 : index
    %swap3A_164 = tpu.vector_load %arg12[%swap3A_163] {strides = array<i32>} : memref<512xf32, #tpu.memory_space<vmem>>, vector<16xf32>,
    tpu.vector_store %arg12[%swap3A_163], %broadcast_in_dim3A_162 {strides = array<i32>} : memref<512xf32, #tpu.memory_space<vmem>>, vector<16xf32>,
    %broadcast_in_dim3A_165 = arith.constant 0.000000e+00 : f32
    %broadcast_in_dim3A_166 = vector.broadcast %broadcast_in_dim3A_165 : f32 to vector<16xf32>
    %swap3A_167 = arith.constant 32 : index
    %swap3A_168 = tpu.vector_load %arg12[%swap3A_167] {strides = array<i32>} : memref<512xf32, #tpu.memory_space<vmem>>, vector<16xf32>,
    tpu.vector_store %arg12[%swap3A_167], %broadcast_in_dim3A_166 {strides = array<i32>} : memref<512xf32, #tpu.memory_space<vmem>>, vector<16xf32>,
    %broadcast_in_dim3A_169 = arith.constant 0.000000e+00 : f32
    %broadcast_in_dim3A_170 = vector.broadcast %broadcast_in_dim3A_169 : f32 to vector<16xf32>
    %swap3A_171 = arith.constant 48 : index
    %swap3A_172 = tpu.vector_load %arg12[%swap3A_171] {strides = array<i32>} : memref<512xf32, #tpu.memory_space<vmem>>, vector<16xf32>,
    tpu.vector_store %arg12[%swap3A_171], %broadcast_in_dim3A_170 {strides = array<i32>} : memref<512xf32, #tpu.memory_space<vmem>>, vector<16xf32>,
    %broadcast_in_dim3A_173 = arith.constant 0.000000e+00 : f32
    %broadcast_in_dim3A_174 = vector.broadcast %broadcast_in_dim3A_173 : f32 to vector<16xf32>
    %swap3A_175 = arith.constant 64 : index
    %swap3A_176 = tpu.vector_load %arg12[%swap3A_175] {strides = array<i32>} : memref<512xf32, #tpu.memory_space<vmem>>, vector<16xf32>,
    tpu.vector_store %arg12[%swap3A_175], %broadcast_in_dim3A_174 {strides = array<i32>} : memref<512xf32, #tpu.memory_space<vmem>>, vector<16xf32>,
    %broadcast_in_dim3A_177 = arith.constant 0.000000e+00 : f32
    %broadcast_in_dim3A_178 = vector.broadcast %broadcast_in_dim3A_177 : f32 to vector<16xf32>
    %swap3A_179 = arith.constant 80 : index
    %swap3A_180 = tpu.vector_load %arg12[%swap3A_179] {strides = array<i32>} : memref<512xf32, #tpu.memory_space<vmem>>, vector<16xf32>,
    tpu.vector_store %arg12[%swap3A_179], %broadcast_in_dim3A_178 {strides = array<i32>} : memref<512xf32, #tpu.memory_space<vmem>>, vector<16xf32>,
    %broadcast_in_dim3A_181 = arith.constant 0.000000e+00 : f32
    %broadcast_in_dim3A_182 = vector.broadcast %broadcast_in_dim3A_181 : f32 to vector<16xf32>
    %swap3A_183 = arith.constant 96 : index
    %swap3A_184 = tpu.vector_load %arg12[%swap3A_183] {strides = array<i32>} : memref<512xf32, #tpu.memory_space<vmem>>, vector<16xf32>,
    tpu.vector_store %arg12[%swap3A_183], %broadcast_in_dim3A_182 {strides = array<i32>} : memref<512xf32, #tpu.memory_space<vmem>>, vector<16xf32>,
    %broadcast_in_dim3A_185 = arith.constant 0.000000e+00 : f32
    %broadcast_in_dim3A_186 = vector.broadcast %broadcast_in_dim3A_185 : f32 to vector<16xf32>
    %swap3A_187 = arith.constant 112 : index
    %swap3A_188 = tpu.vector_load %arg12[%swap3A_187] {strides = array<i32>} : memref<512xf32, #tpu.memory_space<vmem>>, vector<16xf32>,
    tpu.vector_store %arg12[%swap3A_187], %broadcast_in_dim3A_186 {strides = array<i32>} : memref<512xf32, #tpu.memory_space<vmem>>, vector<16xf32>,
    %broadcast_in_dim3A_189 = arith.constant 0.000000e+00 : f32
    %broadcast_in_dim3A_190 = vector.broadcast %broadcast_in_dim3A_189 : f32 to vector<16xf32>
    %swap3A_191 = arith.constant 128 : index
    %swap3A_192 = tpu.vector_load %arg12[%swap3A_191] {strides = array<i32>} : memref<512xf32, #tpu.memory_space<vmem>>, vector<16xf32>,
    tpu.vector_store %arg12[%swap3A_191], %broadcast_in_dim3A_190 {strides = array<i32>} : memref<512xf32, #tpu.memory_space<vmem>>, vector<16xf32>,
    %broadcast_in_dim3A_193 = arith.constant 0.000000e+00 : f32
    %broadcast_in_dim3A_194 = vector.broadcast %broadcast_in_dim3A_193 : f32 to vector<16xf32>
    %swap3A_195 = arith.constant 144 : index
    %swap3A_196 = tpu.vector_load %arg12[%swap3A_195] {strides = array<i32>} : memref<512xf32, #tpu.memory_space<vmem>>, vector<16xf32>,
    tpu.vector_store %arg12[%swap3A_195], %broadcast_in_dim3A_194 {strides = array<i32>} : memref<512xf32, #tpu.memory_space<vmem>>, vector<16xf32>,
    %broadcast_in_dim3A_197 = arith.constant 0.000000e+00 : f32
    %broadcast_in_dim3A_198 = vector.broadcast %broadcast_in_dim3A_197 : f32 to vector<16xf32>
    %swap3A_199 = arith.constant 160 : index
    %swap3A_200 = tpu.vector_load %arg12[%swap3A_199] {strides = array<i32>} : memref<512xf32, #tpu.memory_space<vmem>>, vector<16xf32>,
    tpu.vector_store %arg12[%swap3A_199], %broadcast_in_dim3A_198 {strides = array<i32>} : memref<512xf32, #tpu.memory_space<vmem>>, vector<16xf32>,
    %broadcast_in_dim3A_201 = arith.constant 0.000000e+00 : f32
    %broadcast_in_dim3A_202 = vector.broadcast %broadcast_in_dim3A_201 : f32 to vector<16xf32>
    %swap3A_203 = arith.constant 176 : index
    %swap3A_204 = tpu.vector_load %arg12[%swap3A_203] {strides = array<i32>} : memref<512xf32, #tpu.memory_space<vmem>>, vector<16xf32>,
    tpu.vector_store %arg12[%swap3A_203], %broadcast_in_dim3A_202 {strides = array<i32>} : memref<512xf32, #tpu.memory_space<vmem>>, vector<16xf32>,
    %broadcast_in_dim3A_205 = arith.constant 0.000000e+00 : f32
    %broadcast_in_dim3A_206 = vector.broadcast %broadcast_in_dim3A_205 : f32 to vector<16xf32>
    %swap3A_207 = arith.constant 192 : index
    %swap3A_208 = tpu.vector_load %arg12[%swap3A_207] {strides = array<i32>} : memref<512xf32, #tpu.memory_space<vmem>>, vector<16xf32>,
    tpu.vector_store %arg12[%swap3A_207], %broadcast_in_dim3A_206 {strides = array<i32>} : memref<512xf32, #tpu.memory_space<vmem>>, vector<16xf32>,
    %broadcast_in_dim3A_209 = arith.constant 0.000000e+00 : f32
    %broadcast_in_dim3A_210 = vector.broadcast %broadcast_in_dim3A_209 : f32 to vector<16xf32>
    %swap3A_211 = arith.constant 208 : index
    %swap3A_212 = tpu.vector_load %arg12[%swap3A_211] {strides = array<i32>} : memref<512xf32, #tpu.memory_space<vmem>>, vector<16xf32>,
    tpu.vector_store %arg12[%swap3A_211], %broadcast_in_dim3A_210 {strides = array<i32>} : memref<512xf32, #tpu.memory_space<vmem>>, vector<16xf32>,
    %broadcast_in_dim3A_213 = arith.constant 0.000000e+00 : f32
    %broadcast_in_dim3A_214 = vector.broadcast %broadcast_in_dim3A_213 : f32 to vector<16xf32>
    %swap3A_215 = arith.constant 224 : index
    %swap3A_216 = tpu.vector_load %arg12[%swap3A_215] {strides = array<i32>} : memref<512xf32, #tpu.memory_space<vmem>>, vector<16xf32>,
    tpu.vector_store %arg12[%swap3A_215], %broadcast_in_dim3A_214 {strides = array<i32>} : memref<512xf32, #tpu.memory_space<vmem>>, vector<16xf32>,
    %broadcast_in_dim3A_217 = arith.constant 0.000000e+00 : f32
    %broadcast_in_dim3A_218 = vector.broadcast %broadcast_in_dim3A_217 : f32 to vector<16xf32>
    %swap3A_219 = arith.constant 240 : index
    %swap3A_220 = tpu.vector_load %arg12[%swap3A_219] {strides = array<i32>} : memref<512xf32, #tpu.memory_space<vmem>>, vector<16xf32>,
    tpu.vector_store %arg12[%swap3A_219], %broadcast_in_dim3A_218 {strides = array<i32>} : memref<512xf32, #tpu.memory_space<vmem>>, vector<16xf32>,
    %broadcast_in_dim3A_221 = arith.constant 0.000000e+00 : f32
    %broadcast_in_dim3A_222 = vector.broadcast %broadcast_in_dim3A_221 : f32 to vector<16xf32>
    %swap3A_223 = arith.constant 256 : index
    %swap3A_224 = tpu.vector_load %arg12[%swap3A_223] {strides = array<i32>} : memref<512xf32, #tpu.memory_space<vmem>>, vector<16xf32>,
    tpu.vector_store %arg12[%swap3A_223], %broadcast_in_dim3A_222 {strides = array<i32>} : memref<512xf32, #tpu.memory_space<vmem>>, vector<16xf32>,
    %broadcast_in_dim3A_225 = arith.constant 0.000000e+00 : f32
    %broadcast_in_dim3A_226 = vector.broadcast %broadcast_in_dim3A_225 : f32 to vector<16xf32>
    %swap3A_227 = arith.constant 272 : index
    %swap3A_228 = tpu.vector_load %arg12[%swap3A_227] {strides = array<i32>} : memref<512xf32, #tpu.memory_space<vmem>>, vector<16xf32>,
    tpu.vector_store %arg12[%swap3A_227], %broadcast_in_dim3A_226 {strides = array<i32>} : memref<512xf32, #tpu.memory_space<vmem>>, vector<16xf32>,
    %broadcast_in_dim3A_229 = arith.constant 0.000000e+00 : f32
    %broadcast_in_dim3A_230 = vector.broadcast %broadcast_in_dim3A_229 : f32 to vector<16xf32>
    %swap3A_231 = arith.constant 288 : index
    %swap3A_232 = tpu.vector_load %arg12[%swap3A_231] {strides = array<i32>} : memref<512xf32, #tpu.memory_space<vmem>>, vector<16xf32>,
    tpu.vector_store %arg12[%swap3A_231], %broadcast_in_dim3A_230 {strides = array<i32>} : memref<512xf32, #tpu.memory_space<vmem>>, vector<16xf32>,
    %broadcast_in_dim3A_233 = arith.constant 0.000000e+00 : f32
    %broadcast_in_dim3A_234 = vector.broadcast %broadcast_in_dim3A_233 : f32 to vector<16xf32>
    %swap3A_235 = arith.constant 304 : index
    %swap3A_236 = tpu.vector_load %arg12[%swap3A_235] {strides = array<i32>} : memref<512xf32, #tpu.memory_space<vmem>>, vector<16xf32>,
    tpu.vector_store %arg12[%swap3A_235], %broadcast_in_dim3A_234 {strides = array<i32>} : memref<512xf32, #tpu.memory_space<vmem>>, vector<16xf32>,
    %broadcast_in_dim3A_237 = arith.constant 0.000000e+00 : f32
    %broadcast_in_dim3A_238 = vector.broadcast %broadcast_in_dim3A_237 : f32 to vector<16xf32>
    %swap3A_239 = arith.constant 320 : index
    %swap3A_240 = tpu.vector_load %arg12[%swap3A_239] {strides = array<i32>} : memref<512xf32, #tpu.memory_space<vmem>>, vector<16xf32>,
    tpu.vector_store %arg12[%swap3A_239], %broadcast_in_dim3A_238 {strides = array<i32>} : memref<512xf32, #tpu.memory_space<vmem>>, vector<16xf32>,
    %broadcast_in_dim3A_241 = arith.constant 0.000000e+00 : f32
    %broadcast_in_dim3A_242 = vector.broadcast %broadcast_in_dim3A_241 : f32 to vector<16xf32>
    %swap3A_243 = arith.constant 336 : index
    %swap3A_244 = tpu.vector_load %arg12[%swap3A_243] {strides = array<i32>} : memref<512xf32, #tpu.memory_space<vmem>>, vector<16xf32>,
    tpu.vector_store %arg12[%swap3A_243], %broadcast_in_dim3A_242 {strides = array<i32>} : memref<512xf32, #tpu.memory_space<vmem>>, vector<16xf32>,
    %broadcast_in_dim3A_245 = arith.constant 0.000000e+00 : f32
    %broadcast_in_dim3A_246 = vector.broadcast %broadcast_in_dim3A_245 : f32 to vector<16xf32>
    %swap3A_247 = arith.constant 352 : index
    %swap3A_248 = tpu.vector_load %arg12[%swap3A_247] {strides = array<i32>} : memref<512xf32, #tpu.memory_space<vmem>>, vector<16xf32>,
    tpu.vector_store %arg12[%swap3A_247], %broadcast_in_dim3A_246 {strides = array<i32>} : memref<512xf32, #tpu.memory_space<vmem>>, vector<16xf32>,
    %broadcast_in_dim3A_249 = arith.constant 0.000000e+00 : f32
    %broadcast_in_dim3A_250 = vector.broadcast %broadcast_in_dim3A_249 : f32 to vector<16xf32>
    %swap3A_251 = arith.constant 368 : index
    %swap3A_252 = tpu.vector_load %arg12[%swap3A_251] {strides = array<i32>} : memref<512xf32, #tpu.memory_space<vmem>>, vector<16xf32>,
    tpu.vector_store %arg12[%swap3A_251], %broadcast_in_dim3A_250 {strides = array<i32>} : memref<512xf32, #tpu.memory_space<vmem>>, vector<16xf32>,
    %broadcast_in_dim3A_253 = arith.constant 0.000000e+00 : f32
    %broadcast_in_dim3A_254 = vector.broadcast %broadcast_in_dim3A_253 : f32 to vector<16xf32>
    %swap3A_255 = arith.constant 384 : index
    %swap3A_256 = tpu.vector_load %arg12[%swap3A_255] {strides = array<i32>} : memref<512xf32, #tpu.memory_space<vmem>>, vector<16xf32>,
    tpu.vector_store %arg12[%swap3A_255], %broadcast_in_dim3A_254 {strides = array<i32>} : memref<512xf32, #tpu.memory_space<vmem>>, vector<16xf32>,
    %broadcast_in_dim3A_257 = arith.constant 0.000000e+00 : f32
    %broadcast_in_dim3A_258 = vector.broadcast %broadcast_in_dim3A_257 : f32 to vector<16xf32>
    %swap3A_259 = arith.constant 400 : index
    %swap3A_260 = tpu.vector_load %arg12[%swap3A_259] {strides = array<i32>} : memref<512xf32, #tpu.memory_space<vmem>>, vector<16xf32>,
    tpu.vector_store %arg12[%swap3A_259], %broadcast_in_dim3A_258 {strides = array<i32>} : memref<512xf32, #tpu.memory_space<vmem>>, vector<16xf32>,
    %broadcast_in_dim3A_261 = arith.constant 0.000000e+00 : f32
    %broadcast_in_dim3A_262 = vector.broadcast %broadcast_in_dim3A_261 : f32 to vector<16xf32>
    %swap3A_263 = arith.constant 416 : index
    %swap3A_264 = tpu.vector_load %arg12[%swap3A_263] {strides = array<i32>} : memref<512xf32, #tpu.memory_space<vmem>>, vector<16xf32>,
    tpu.vector_store %arg12[%swap3A_263], %broadcast_in_dim3A_262 {strides = array<i32>} : memref<512xf32, #tpu.memory_space<vmem>>, vector<16xf32>,
    %broadcast_in_dim3A_265 = arith.constant 0.000000e+00 : f32
    %broadcast_in_dim3A_266 = vector.broadcast %broadcast_in_dim3A_265 : f32 to vector<16xf32>
    %swap3A_267 = arith.constant 432 : index
    %swap3A_268 = tpu.vector_load %arg12[%swap3A_267] {strides = array<i32>} : memref<512xf32, #tpu.memory_space<vmem>>, vector<16xf32>,
    tpu.vector_store %arg12[%swap3A_267], %broadcast_in_dim3A_266 {strides = array<i32>} : memref<512xf32, #tpu.memory_space<vmem>>, vector<16xf32>,
    %broadcast_in_dim3A_269 = arith.constant 0.000000e+00 : f32
    %broadcast_in_dim3A_270 = vector.broadcast %broadcast_in_dim3A_269 : f32 to vector<16xf32>
    %swap3A_271 = arith.constant 448 : index
    %swap3A_272 = tpu.vector_load %arg12[%swap3A_271] {strides = array<i32>} : memref<512xf32, #tpu.memory_space<vmem>>, vector<16xf32>,
    tpu.vector_store %arg12[%swap3A_271], %broadcast_in_dim3A_270 {strides = array<i32>} : memref<512xf32, #tpu.memory_space<vmem>>, vector<16xf32>,
    %broadcast_in_dim3A_273 = arith.constant 0.000000e+00 : f32
    %broadcast_in_dim3A_274 = vector.broadcast %broadcast_in_dim3A_273 : f32 to vector<16xf32>
    %swap3A_275 = arith.constant 464 : index
    %swap3A_276 = tpu.vector_load %arg12[%swap3A_275] {strides = array<i32>} : memref<512xf32, #tpu.memory_space<vmem>>, vector<16xf32>,
    tpu.vector_store %arg12[%swap3A_275], %broadcast_in_dim3A_274 {strides = array<i32>} : memref<512xf32, #tpu.memory_space<vmem>>, vector<16xf32>,
    %broadcast_in_dim3A_277 = arith.constant 0.000000e+00 : f32
    %broadcast_in_dim3A_278 = vector.broadcast %broadcast_in_dim3A_277 : f32 to vector<16xf32>
    %swap3A_279 = arith.constant 480 : index
    %swap3A_280 = tpu.vector_load %arg12[%swap3A_279] {strides = array<i32>} : memref<512xf32, #tpu.memory_space<vmem>>, vector<16xf32>,
    tpu.vector_store %arg12[%swap3A_279], %broadcast_in_dim3A_278 {strides = array<i32>} : memref<512xf32, #tpu.memory_space<vmem>>, vector<16xf32>,
    %broadcast_in_dim3A_281 = arith.constant 0.000000e+00 : f32
    %broadcast_in_dim3A_282 = vector.broadcast %broadcast_in_dim3A_281 : f32 to vector<16xf32>
    %swap3A_283 = arith.constant 496 : index
    %swap3A_284 = tpu.vector_load %arg12[%swap3A_283] {strides = array<i32>} : memref<512xf32, #tpu.memory_space<vmem>>, vector<16xf32>,
    tpu.vector_store %arg12[%swap3A_283], %broadcast_in_dim3A_282 {strides = array<i32>} : memref<512xf32, #tpu.memory_space<vmem>>, vector<16xf32>,
    %iota3A = tpu.iota {dimensions = array<i32: 0>} : vector<16xi32>
    %jit3A = arith.constant 8 : i32
    %div3A_285 = vector.broadcast %jit3A : i32 to vector<16xi32>
    %div3A_286 = arith.divsi %iota3A, %div3A_285 : vector<16xi32>
    %sign3A = arith.constant 0 : i32
    %sign3A_287 = vector.broadcast %sign3A : i32 to vector<16xi32>
    %sign3A_288 = arith.cmpi sgt, %iota3A, %sign3A_287 : vector<16xi32>
    %sign3A_289 = arith.extui %sign3A_288 : vector<16xi1> to vector<16xi32>
    %sign3A_290 = arith.constant 0 : i32
    %sign3A_291 = vector.broadcast %sign3A_290 : i32 to vector<16xi32>
    %sign3A_292 = arith.cmpi slt, %iota3A, %sign3A_291 : vector<16xi32>
    %sign3A_293 = arith.extui %sign3A_292 : vector<16xi1> to vector<16xi32>
    %sign3A_294 = arith.subi %sign3A_289, %sign3A_293 : vector<16xi32>
    %sign3A_295 = arith.constant 0 : i32
    %sign3A_296 = arith.cmpi sgt, %jit3A, %sign3A_295 : i32
    %sign3A_297 = arith.extui %sign3A_296 : i1 to i32
    %sign3A_298 = arith.constant 0 : i32
    %sign3A_299 = arith.cmpi slt, %jit3A, %sign3A_298 : i32
    %sign3A_300 = arith.extui %sign3A_299 : i1 to i32
    %sign3A_301 = arith.subi %sign3A_297, %sign3A_300 : i32
    %ne3A = vector.broadcast %sign3A_301 : i32 to vector<16xi32>
    %ne3A_302 = arith.cmpi ne, %sign3A_294, %ne3A : vector<16xi32>
    %rem3A = vector.broadcast %jit3A : i32 to vector<16xi32>
    %rem3A_303 = arith.remsi %iota3A, %rem3A : vector<16xi32>
    %ne3A_304 = arith.constant 0 : i32
    %ne3A_305 = vector.broadcast %ne3A_304 : i32 to vector<16xi32>
    %ne3A_306 = arith.cmpi ne, %rem3A_303, %ne3A_305 : vector<16xi32>
    %and3A = arith.andi %ne3A_302, %ne3A_306 : vector<16xi1>
    %sub3A = arith.constant 1 : i32
    %sub3A_307 = vector.broadcast %sub3A : i32 to vector<16xi32>
    %sub3A_308 = arith.subi %div3A_286, %sub3A_307 : vector<16xi32>
    %select_n3A = arith.select %and3A, %sub3A_308, %div3A_286 : vector<16xi1>, vector<16xi32>
    %mul3A_309 = arith.constant 4096 : i32
    %mul3A_310 = vector.broadcast %mul3A_309 : i32 to vector<16xi32>
    %mul3A_311 = arith.muli %select_n3A, %mul3A_310 : vector<16xi32>
    %jit3A_312 = arith.constant 8 : i32
    %eq3A = arith.constant 0 : i32
    %eq3A_313 = arith.cmpi eq, %jit3A_312, %eq3A : i32
    %jit3A_314 = arith.constant 1 : i32
    %select_n3A_315 = arith.select %eq3A_313, %jit3A_314, %jit3A_312 : i32
    %rem3A_316 = vector.broadcast %select_n3A_315 : i32 to vector<16xi32>
    %rem3A_317 = arith.remsi %iota3A, %rem3A_316 : vector<16xi32>
    %ne3A_318 = arith.constant 0 : i32
    %ne3A_319 = vector.broadcast %ne3A_318 : i32 to vector<16xi32>
    %ne3A_320 = arith.cmpi ne, %rem3A_317, %ne3A_319 : vector<16xi32>
    %lt3A = arith.constant 0 : i32
    %lt3A_321 = vector.broadcast %lt3A : i32 to vector<16xi32>
    %lt3A_322 = arith.cmpi slt, %rem3A_317, %lt3A_321 : vector<16xi32>
    %lt3A_323 = arith.constant 0 : i32
    %lt3A_324 = arith.cmpi slt, %select_n3A_315, %lt3A_323 : i32
    %ne3A_325 = vector.broadcast %lt3A_324 : i1 to vector<16xi1>
    %ne3A_326 = vector.broadcast %ne3A_325 : vector<16xi1> to vector<16xi1>
    %ne3A_327 = arith.xori %lt3A_322, %ne3A_326 : vector<16xi1>
    %and3A_328 = arith.andi %ne3A_327, %ne3A_320 : vector<16xi1>
    %add3A_329 = vector.broadcast %select_n3A_315 : i32 to vector<16xi32>
    %add3A_330 = arith.addi %rem3A_317, %add3A_329 : vector<16xi32>
    %select_n3A_331 = arith.select %and3A_328, %add3A_330, %rem3A_317 : vector<16xi1>, vector<16xi32>
    %mul3A_332 = arith.constant 128 : i32
    %mul3A_333 = vector.broadcast %mul3A_332 : i32 to vector<16xi32>
    %mul3A_334 = arith.muli %select_n3A_331, %mul3A_333 : vector<16xi32>
    %add3A_335 = arith.addi %mul3A_311, %mul3A_334 : vector<16xi32>
    %mul3A_336 = arith.constant 512 : i32
    %mul3A_337 = arith.muli %add3A, %mul3A_336 : i32
    %scan3A = arith.constant 0 : i32
    %scan3A_338 = arith.constant 0 : i32
    %scan3A_339 = arith.constant 4 : i32
    %scan3A_340 = arith.addi %scan3A_338, %scan3A_339 : i32
    %scan3A_341 = arith.constant 1 : i32
    %scan3A_342 = scf.for %scan3A_344 = %scan3A_338 to %scan3A_340 step %scan3A_341 iter_args(%scan3A_345 = %scan3A) -> (i32)  : i32 {
      %mul3A_346 = arith.constant 128 : i32
      %mul3A_347 = arith.muli %scan3A_344, %mul3A_346 : i32
      %add3A_348 = arith.addi %mul3A_337, %mul3A_347 : i32
      %scan3A_349 = arith.constant 0 : i32
      %scan3A_350 = arith.constant 0 : i32
      %scan3A_351 = arith.constant 4096 : i32
      %scan3A_352 = arith.addi %scan3A_350, %scan3A_351 : i32
      %scan3A_353 = arith.constant 8 : i32
      %scan3A_354 = scf.for %scan3A_376 = %scan3A_350 to %scan3A_352 step %scan3A_353 iter_args(%scan3A_377 = %scan3A_349) -> (i32)  : i32 {
        %broadcast_in_dim3A_378 = arith.constant 0.000000e+00 : f32
        %broadcast_in_dim3A_379 = vector.broadcast %broadcast_in_dim3A_378 : f32 to vector<16xf32>
        %mul3A_380 = arith.constant 16 : i32
        %mul3A_381 = arith.muli %scan3A_376, %mul3A_380 : i32
        %swap3A_382 = arith.index_cast %mul3A_381 : i32 to index
        %swap3A_383 = tpu.vector_load %arg11[%swap3A_382] {strides = array<i32>} : memref<65536xf32, #tpu.memory_space<vmem>>, vector<16xf32>,
        tpu.vector_store %arg11[%swap3A_382], %broadcast_in_dim3A_379 {strides = array<i32>} : memref<65536xf32, #tpu.memory_space<vmem>>, vector<16xf32>,
        %scan3A_384 = arith.constant 0 : i32
        %scan3A_385 = arith.constant 1 : i32
        %scan3A_386 = arith.addi %scan3A_376, %scan3A_385 : i32
        %broadcast_in_dim3A_387 = arith.constant 0.000000e+00 : f32
        %broadcast_in_dim3A_388 = vector.broadcast %broadcast_in_dim3A_387 : f32 to vector<16xf32>
        %mul3A_389 = arith.constant 16 : i32
        %mul3A_390 = arith.muli %scan3A_386, %mul3A_389 : i32
        %swap3A_391 = arith.index_cast %mul3A_390 : i32 to index
        %swap3A_392 = tpu.vector_load %arg11[%swap3A_391] {strides = array<i32>} : memref<65536xf32, #tpu.memory_space<vmem>>, vector<16xf32>,
        tpu.vector_store %arg11[%swap3A_391], %broadcast_in_dim3A_388 {strides = array<i32>} : memref<65536xf32, #tpu.memory_space<vmem>>, vector<16xf32>,
        %scan3A_393 = arith.constant 0 : i32
        %scan3A_394 = arith.constant 2 : i32
        %scan3A_395 = arith.addi %scan3A_376, %scan3A_394 : i32
        %broadcast_in_dim3A_396 = arith.constant 0.000000e+00 : f32
        %broadcast_in_dim3A_397 = vector.broadcast %broadcast_in_dim3A_396 : f32 to vector<16xf32>
        %mul3A_398 = arith.constant 16 : i32
        %mul3A_399 = arith.muli %scan3A_395, %mul3A_398 : i32
        %swap3A_400 = arith.index_cast %mul3A_399 : i32 to index
        %swap3A_401 = tpu.vector_load %arg11[%swap3A_400] {strides = array<i32>} : memref<65536xf32, #tpu.memory_space<vmem>>, vector<16xf32>,
        tpu.vector_store %arg11[%swap3A_400], %broadcast_in_dim3A_397 {strides = array<i32>} : memref<65536xf32, #tpu.memory_space<vmem>>, vector<16xf32>,
        %scan3A_402 = arith.constant 0 : i32
        %scan3A_403 = arith.constant 3 : i32
        %scan3A_404 = arith.addi %scan3A_376, %scan3A_403 : i32
        %broadcast_in_dim3A_405 = arith.constant 0.000000e+00 : f32
        %broadcast_in_dim3A_406 = vector.broadcast %broadcast_in_dim3A_405 : f32 to vector<16xf32>
        %mul3A_407 = arith.constant 16 : i32
        %mul3A_408 = arith.muli %scan3A_404, %mul3A_407 : i32
        %swap3A_409 = arith.index_cast %mul3A_408 : i32 to index
        %swap3A_410 = tpu.vector_load %arg11[%swap3A_409] {strides = array<i32>} : memref<65536xf32, #tpu.memory_space<vmem>>, vector<16xf32>,
        tpu.vector_store %arg11[%swap3A_409], %broadcast_in_dim3A_406 {strides = array<i32>} : memref<65536xf32, #tpu.memory_space<vmem>>, vector<16xf32>,
        %scan3A_411 = arith.constant 0 : i32
        %scan3A_412 = arith.constant 4 : i32
        %scan3A_413 = arith.addi %scan3A_376, %scan3A_412 : i32
        %broadcast_in_dim3A_414 = arith.constant 0.000000e+00 : f32
        %broadcast_in_dim3A_415 = vector.broadcast %broadcast_in_dim3A_414 : f32 to vector<16xf32>
        %mul3A_416 = arith.constant 16 : i32
        %mul3A_417 = arith.muli %scan3A_413, %mul3A_416 : i32
        %swap3A_418 = arith.index_cast %mul3A_417 : i32 to index
        %swap3A_419 = tpu.vector_load %arg11[%swap3A_418] {strides = array<i32>} : memref<65536xf32, #tpu.memory_space<vmem>>, vector<16xf32>,
        tpu.vector_store %arg11[%swap3A_418], %broadcast_in_dim3A_415 {strides = array<i32>} : memref<65536xf32, #tpu.memory_space<vmem>>, vector<16xf32>,
        %scan3A_420 = arith.constant 0 : i32
        %scan3A_421 = arith.constant 5 : i32
        %scan3A_422 = arith.addi %scan3A_376, %scan3A_421 : i32
        %broadcast_in_dim3A_423 = arith.constant 0.000000e+00 : f32
        %broadcast_in_dim3A_424 = vector.broadcast %broadcast_in_dim3A_423 : f32 to vector<16xf32>
        %mul3A_425 = arith.constant 16 : i32
        %mul3A_426 = arith.muli %scan3A_422, %mul3A_425 : i32
        %swap3A_427 = arith.index_cast %mul3A_426 : i32 to index
        %swap3A_428 = tpu.vector_load %arg11[%swap3A_427] {strides = array<i32>} : memref<65536xf32, #tpu.memory_space<vmem>>, vector<16xf32>,
        tpu.vector_store %arg11[%swap3A_427], %broadcast_in_dim3A_424 {strides = array<i32>} : memref<65536xf32, #tpu.memory_space<vmem>>, vector<16xf32>,
        %scan3A_429 = arith.constant 0 : i32
        %scan3A_430 = arith.constant 6 : i32
        %scan3A_431 = arith.addi %scan3A_376, %scan3A_430 : i32
        %broadcast_in_dim3A_432 = arith.constant 0.000000e+00 : f32
        %broadcast_in_dim3A_433 = vector.broadcast %broadcast_in_dim3A_432 : f32 to vector<16xf32>
        %mul3A_434 = arith.constant 16 : i32
        %mul3A_435 = arith.muli %scan3A_431, %mul3A_434 : i32
        %swap3A_436 = arith.index_cast %mul3A_435 : i32 to index
        %swap3A_437 = tpu.vector_load %arg11[%swap3A_436] {strides = array<i32>} : memref<65536xf32, #tpu.memory_space<vmem>>, vector<16xf32>,
        tpu.vector_store %arg11[%swap3A_436], %broadcast_in_dim3A_433 {strides = array<i32>} : memref<65536xf32, #tpu.memory_space<vmem>>, vector<16xf32>,
        %scan3A_438 = arith.constant 0 : i32
        %scan3A_439 = arith.constant 7 : i32
        %scan3A_440 = arith.addi %scan3A_376, %scan3A_439 : i32
        %broadcast_in_dim3A_441 = arith.constant 0.000000e+00 : f32
        %broadcast_in_dim3A_442 = vector.broadcast %broadcast_in_dim3A_441 : f32 to vector<16xf32>
        %mul3A_443 = arith.constant 16 : i32
        %mul3A_444 = arith.muli %scan3A_440, %mul3A_443 : i32
        %swap3A_445 = arith.index_cast %mul3A_444 : i32 to index
        %swap3A_446 = tpu.vector_load %arg11[%swap3A_445] {strides = array<i32>} : memref<65536xf32, #tpu.memory_space<vmem>>, vector<16xf32>,
        tpu.vector_store %arg11[%swap3A_445], %broadcast_in_dim3A_442 {strides = array<i32>} : memref<65536xf32, #tpu.memory_space<vmem>>, vector<16xf32>,
        %scan3A_447 = arith.constant 0 : i32
        scf.yield %scan3A_447 : i32
      }
      %scan3A_355 = arith.constant 4096 : i32
      %scan3A_356 = arith.constant 0 : i32
      %scan3A_357 = arith.constant 0 : i32
      %scan3A_358 = arith.constant 5 : i32
      %scan3A_359 = arith.addi %scan3A_357, %scan3A_358 : i32
      %scan3A_360 = arith.constant 1 : i32
      %scan3A_361 = scf.for %scan3A_376 = %scan3A_357 to %scan3A_359 step %scan3A_360 iter_args(%scan3A_377 = %scan3A_356) -> (i32)  : i32 {
        %mul3A_378 = arith.constant 40 : i32
        %mul3A_379 = arith.muli %scan3A_376, %mul3A_378 : i32
        %dma_start3A_380 = arith.constant 0 : i32
        %dma_start3A_381 = arith.constant 0 : i32
        %dma_start3A_382 = tpu.memref_slice %arg8[%dma_start3A_380, %dma_start3A_381] : memref<120x128xi32, #tpu.memory_space<vmem>> -> memref<40x128xi32, #tpu.memory_space<vmem>>
        %dma_start3A_383 = tpu.memref_slice %arg2[%mul3A_379, %add3A_348] : memref<200x16384xi32, #tpu.memory_space<hbm>> -> memref<40x128xi32, #tpu.memory_space<hbm>>
        %dma_start3A_384 = arith.constant 0 : i32
        %dma_start3A_385 = arith.constant 0 : i32
        %dma_start3A_386 = tpu.memref_slice %arg8[%dma_start3A_384, %dma_start3A_385] : memref<120x128xi32, #tpu.memory_space<vmem>> -> memref<40x128xi32, #tpu.memory_space<vmem>>
        %dma_start3A_387 = tpu.memref_slice %arg2[%mul3A_379, %add3A_348] : memref<200x16384xi32, #tpu.memory_space<hbm>> -> memref<40x128xi32, #tpu.memory_space<hbm>>
        tpu.enqueue_dma source(%dma_start3A_387 : memref<40x128xi32, #tpu.memory_space<hbm>>) target(%dma_start3A_386 : memref<40x128xi32, #tpu.memory_space<vmem>>) target_semaphore(%arg14 : memref<!tpu.dma_semaphore, #tpu.memory_space<semaphore_mem>>)
        %dma_start3A_388 = arith.constant 40 : i32
        %dma_start3A_389 = arith.constant 0 : i32
        %dma_start3A_390 = tpu.memref_slice %arg8[%dma_start3A_388, %dma_start3A_389] : memref<120x128xi32, #tpu.memory_space<vmem>> -> memref<40x128xi32, #tpu.memory_space<vmem>>
        %dma_start3A_391 = tpu.memref_slice %arg3[%mul3A_379, %add3A_348] : memref<200x16384xi32, #tpu.memory_space<hbm>> -> memref<40x128xi32, #tpu.memory_space<hbm>>
        %dma_start3A_392 = arith.constant 40 : i32
        %dma_start3A_393 = arith.constant 0 : i32
        %dma_start3A_394 = tpu.memref_slice %arg8[%dma_start3A_392, %dma_start3A_393] : memref<120x128xi32, #tpu.memory_space<vmem>> -> memref<40x128xi32, #tpu.memory_space<vmem>>
        %dma_start3A_395 = tpu.memref_slice %arg3[%mul3A_379, %add3A_348] : memref<200x16384xi32, #tpu.memory_space<hbm>> -> memref<40x128xi32, #tpu.memory_space<hbm>>
        tpu.enqueue_dma source(%dma_start3A_395 : memref<40x128xi32, #tpu.memory_space<hbm>>) target(%dma_start3A_394 : memref<40x128xi32, #tpu.memory_space<vmem>>) target_semaphore(%arg15 : memref<!tpu.dma_semaphore, #tpu.memory_space<semaphore_mem>>)
        %dma_start3A_396 = arith.constant 80 : i32
        %dma_start3A_397 = arith.constant 0 : i32
        %dma_start3A_398 = tpu.memref_slice %arg8[%dma_start3A_396, %dma_start3A_397] : memref<120x128xi32, #tpu.memory_space<vmem>> -> memref<40x128xi32, #tpu.memory_space<vmem>>
        %dma_start3A_399 = tpu.memref_slice %arg4[%mul3A_379, %add3A_348] : memref<200x16384xi32, #tpu.memory_space<hbm>> -> memref<40x128xi32, #tpu.memory_space<hbm>>
        %dma_start3A_400 = arith.constant 80 : i32
        %dma_start3A_401 = arith.constant 0 : i32
        %dma_start3A_402 = tpu.memref_slice %arg8[%dma_start3A_400, %dma_start3A_401] : memref<120x128xi32, #tpu.memory_space<vmem>> -> memref<40x128xi32, #tpu.memory_space<vmem>>
        %dma_start3A_403 = tpu.memref_slice %arg4[%mul3A_379, %add3A_348] : memref<200x16384xi32, #tpu.memory_space<hbm>> -> memref<40x128xi32, #tpu.memory_space<hbm>>
        tpu.enqueue_dma source(%dma_start3A_403 : memref<40x128xi32, #tpu.memory_space<hbm>>) target(%dma_start3A_402 : memref<40x128xi32, #tpu.memory_space<vmem>>) target_semaphore(%arg16 : memref<!tpu.dma_semaphore, #tpu.memory_space<semaphore_mem>>)
        %dma_wait3A_404 = arith.constant 0 : i32
        %dma_wait3A_405 = arith.constant 0 : i32
        %dma_wait3A_406 = tpu.memref_slice %arg8[%dma_wait3A_404, %dma_wait3A_405] : memref<120x128xi32, #tpu.memory_space<vmem>> -> memref<40x128xi32, #tpu.memory_space<vmem>>
        %dma_wait3A_407 = tpu.memref_slice %arg2[%mul3A_379, %add3A_348] : memref<200x16384xi32, #tpu.memory_space<hbm>> -> memref<40x128xi32, #tpu.memory_space<hbm>>
        %dma_wait3A_408 = arith.constant 0 : i32
        %dma_wait3A_409 = arith.constant 0 : i32
        %dma_wait3A_410 = tpu.memref_slice %arg8[%dma_wait3A_408, %dma_wait3A_409] : memref<120x128xi32, #tpu.memory_space<vmem>> -> memref<40x128xi32, #tpu.memory_space<vmem>>
        %dma_wait3A_411 = tpu.memref_slice %arg2[%mul3A_379, %add3A_348] : memref<200x16384xi32, #tpu.memory_space<hbm>> -> memref<40x128xi32, #tpu.memory_space<hbm>>
        tpu.wait_dma2 semaphore(%arg14 : memref<!tpu.dma_semaphore, #tpu.memory_space<semaphore_mem>>) src(%dma_wait3A_411 : memref<40x128xi32, #tpu.memory_space<hbm>>) dst(%dma_wait3A_410 : memref<40x128xi32, #tpu.memory_space<vmem>>)
        %dma_wait3A_412 = arith.constant 40 : i32
        %dma_wait3A_413 = arith.constant 0 : i32
        %dma_wait3A_414 = tpu.memref_slice %arg8[%dma_wait3A_412, %dma_wait3A_413] : memref<120x128xi32, #tpu.memory_space<vmem>> -> memref<40x128xi32, #tpu.memory_space<vmem>>
        %dma_wait3A_415 = tpu.memref_slice %arg3[%mul3A_379, %add3A_348] : memref<200x16384xi32, #tpu.memory_space<hbm>> -> memref<40x128xi32, #tpu.memory_space<hbm>>
        %dma_wait3A_416 = arith.constant 40 : i32
        %dma_wait3A_417 = arith.constant 0 : i32
        %dma_wait3A_418 = tpu.memref_slice %arg8[%dma_wait3A_416, %dma_wait3A_417] : memref<120x128xi32, #tpu.memory_space<vmem>> -> memref<40x128xi32, #tpu.memory_space<vmem>>
        %dma_wait3A_419 = tpu.memref_slice %arg3[%mul3A_379, %add3A_348] : memref<200x16384xi32, #tpu.memory_space<hbm>> -> memref<40x128xi32, #tpu.memory_space<hbm>>
        tpu.wait_dma2 semaphore(%arg15 : memref<!tpu.dma_semaphore, #tpu.memory_space<semaphore_mem>>) src(%dma_wait3A_419 : memref<40x128xi32, #tpu.memory_space<hbm>>) dst(%dma_wait3A_418 : memref<40x128xi32, #tpu.memory_space<vmem>>)
        %dma_wait3A_420 = arith.constant 80 : i32
        %dma_wait3A_421 = arith.constant 0 : i32
        %dma_wait3A_422 = tpu.memref_slice %arg8[%dma_wait3A_420, %dma_wait3A_421] : memref<120x128xi32, #tpu.memory_space<vmem>> -> memref<40x128xi32, #tpu.memory_space<vmem>>
        %dma_wait3A_423 = tpu.memref_slice %arg4[%mul3A_379, %add3A_348] : memref<200x16384xi32, #tpu.memory_space<hbm>> -> memref<40x128xi32, #tpu.memory_space<hbm>>
        %dma_wait3A_424 = arith.constant 80 : i32
        %dma_wait3A_425 = arith.constant 0 : i32
        %dma_wait3A_426 = tpu.memref_slice %arg8[%dma_wait3A_424, %dma_wait3A_425] : memref<120x128xi32, #tpu.memory_space<vmem>> -> memref<40x128xi32, #tpu.memory_space<vmem>>
        %dma_wait3A_427 = tpu.memref_slice %arg4[%mul3A_379, %add3A_348] : memref<200x16384xi32, #tpu.memory_space<hbm>> -> memref<40x128xi32, #tpu.memory_space<hbm>>
        tpu.wait_dma2 semaphore(%arg16 : memref<!tpu.dma_semaphore, #tpu.memory_space<semaphore_mem>>) src(%dma_wait3A_427 : memref<40x128xi32, #tpu.memory_space<hbm>>) dst(%dma_wait3A_426 : memref<40x128xi32, #tpu.memory_space<vmem>>)
        %broadcast_in_dim3A_428 = arith.constant 0.000000e+00 : f32
        %broadcast_in_dim3A_429 = vector.broadcast %broadcast_in_dim3A_428 : f32 to vector<16xf32>
        %broadcast_in_dim3A_430 = arith.constant 0.000000e+00 : f32
        %broadcast_in_dim3A_431 = vector.broadcast %broadcast_in_dim3A_430 : f32 to vector<16xf32>
        %broadcast_in_dim3A_432 = arith.constant 0.000000e+00 : f32
        %broadcast_in_dim3A_433 = vector.broadcast %broadcast_in_dim3A_432 : f32 to vector<16xf32>
        %broadcast_in_dim3A_434 = arith.constant 0.000000e+00 : f32
        %broadcast_in_dim3A_435 = vector.broadcast %broadcast_in_dim3A_434 : f32 to vector<16xf32>
        %broadcast_in_dim3A_436 = arith.constant 0.000000e+00 : f32
        %broadcast_in_dim3A_437 = vector.broadcast %broadcast_in_dim3A_436 : f32 to vector<16xf32>
        %broadcast_in_dim3A_438 = arith.constant 0.000000e+00 : f32
        %broadcast_in_dim3A_439 = vector.broadcast %broadcast_in_dim3A_438 : f32 to vector<16xf32>
        %broadcast_in_dim3A_440 = arith.constant 0.000000e+00 : f32
        %broadcast_in_dim3A_441 = vector.broadcast %broadcast_in_dim3A_440 : f32 to vector<16xf32>
        %broadcast_in_dim3A_442 = arith.constant 0.000000e+00 : f32
        %broadcast_in_dim3A_443 = vector.broadcast %broadcast_in_dim3A_442 : f32 to vector<16xf32>
        %scan3A_444 = arith.constant 0 : i32
        %scan3A_445 = arith.constant 40 : i32
        %scan3A_446 = arith.addi %scan3A_444, %scan3A_445 : i32
        %scan3A_447 = arith.constant 1 : i32
        %scan3A_448:8 = scf.for %scan3A_523 = %scan3A_444 to %scan3A_446 step %scan3A_447 iter_args(%scan3A_524 = %broadcast_in_dim3A_429, %scan3A_525 = %broadcast_in_dim3A_431, %scan3A_526 = %broadcast_in_dim3A_433, %scan3A_527 = %broadcast_in_dim3A_435, %scan3A_528 = %broadcast_in_dim3A_437, %scan3A_529 = %broadcast_in_dim3A_439, %scan3A_530 = %broadcast_in_dim3A_441, %scan3A_531 = %broadcast_in_dim3A_443) -> (vector<16xf32>, vector<16xf32>, vector<16xf32>, vector<16xf32>, vector<16xf32>, vector<16xf32>, vector<16xf32>, vector<16xf32>)  : i32 {
          %get3A_532 = arith.index_cast %scan3A_523 : i32 to index
          %get3A_533 = arith.constant 0 : index
          %get3A_534 = tpu.vector_load %arg8[%get3A_532, %get3A_533] {strides = array<i32>} : memref<120x128xi32, #tpu.memory_space<vmem>>, vector<16xi32>,
          %add3A_535 = arith.constant 40 : i32
          %add3A_536 = arith.addi %scan3A_523, %add3A_535 : i32
          %get3A_537 = arith.index_cast %add3A_536 : i32 to index
          %get3A_538 = arith.constant 0 : index
          %get3A_539 = tpu.vector_load %arg8[%get3A_537, %get3A_538] {strides = array<i32>} : memref<120x128xi32, #tpu.memory_space<vmem>>, vector<16xi32>,
          %add3A_540 = arith.constant 80 : i32
          %add3A_541 = arith.addi %scan3A_523, %add3A_540 : i32
          %get3A_542 = arith.index_cast %add3A_541 : i32 to index
          %get3A_543 = arith.constant 0 : index
          %get3A_544 = tpu.vector_load %arg8[%get3A_542, %get3A_543] {strides = array<i32>} : memref<120x128xi32, #tpu.memory_space<vmem>>, vector<16xi32>,
          %jit3A_545 = arith.constant 0 : i32
          %jit3A_546 = arith.constant 255 : i32
          %max3A = vector.broadcast %jit3A_545 : i32 to vector<16xi32>
          %max3A_547 = arith.maxsi %max3A, %get3A_539 : vector<16xi32>
          %min3A = vector.broadcast %jit3A_546 : i32 to vector<16xi32>
          %min3A_548 = arith.minsi %min3A, %max3A_547 : vector<16xi32>
          %gather3A = tpu.vector_load_idx %arg10[%min3A_548] : memref<256xf32, #tpu.memory_space<vmem>>[vector<16xi32>], vector<16xf32>,
          %ne3A_549 = arith.constant 255 : i32
          %ne3A_550 = vector.broadcast %ne3A_549 : i32 to vector<16xi32>
          %ne3A_551 = arith.cmpi ne, %get3A_534, %ne3A_550 : vector<16xi32>
          %convert_element_type3A = arith.sitofp %get3A_544 : vector<16xi32> to vector<16xf32>
          %jit3A_552 = arith.constant 0.000000e+00 : f32
          %broadcast_in_dim3A_553 = vector.broadcast %jit3A_552 : f32 to vector<16xf32>
          %select_n3A_554 = arith.select %ne3A_551, %convert_element_type3A, %broadcast_in_dim3A_553 : vector<16xi1>, vector<16xf32>
          %mul3A_555 = arith.mulf %select_n3A_554, %gather3A : vector<16xf32>
          %shift_right_arithmetic3A = arith.constant 4 : i32
          %shift_right_arithmetic3A_556 = vector.broadcast %shift_right_arithmetic3A : i32 to vector<16xi32>
          %shift_right_arithmetic3A_557 = arith.shrsi %get3A_534, %shift_right_arithmetic3A_556 : vector<16xi32>
          %and3A_558 = arith.constant 15 : i32
          %and3A_559 = vector.broadcast %and3A_558 : i32 to vector<16xi32>
          %and3A_560 = arith.andi %shift_right_arithmetic3A_557, %and3A_559 : vector<16xi32>
          %mul3A_561 = arith.constant 16 : i32
          %mul3A_562 = vector.broadcast %mul3A_561 : i32 to vector<16xi32>
          %mul3A_563 = arith.muli %and3A_560, %mul3A_562 : vector<16xi32>
          %and3A_564 = arith.constant 15 : i32
          %and3A_565 = vector.broadcast %and3A_564 : i32 to vector<16xi32>
          %and3A_566 = arith.andi %get3A_534, %and3A_565 : vector<16xi32>
          %add3A_567 = arith.addi %mul3A_563, %and3A_566 : vector<16xi32>
          %add3A_568 = arith.constant 256 : i32
          %add3A_569 = vector.broadcast %add3A_568 : i32 to vector<16xi32>
          %add3A_570 = arith.addi %add3A_569, %min3A_548 : vector<16xi32>
          %add3A_571 = arith.constant 0 : i32
          %add3A_572 = vector.broadcast %add3A_571 : i32 to vector<16xi32>
          %add3A_573 = arith.addi %add3A_335, %add3A_572 : vector<16xi32>
          %shift_right_arithmetic3A_574 = arith.constant 7 : i32
          %shift_right_arithmetic3A_575 = vector.broadcast %shift_right_arithmetic3A_574 : i32 to vector<16xi32>
          %shift_right_arithmetic3A_576 = arith.shrsi %add3A_567, %shift_right_arithmetic3A_575 : vector<16xi32>
          %shift_left3A = arith.constant 10 : i32
          %shift_left3A_577 = vector.broadcast %shift_left3A : i32 to vector<16xi32>
          %shift_left3A_578 = arith.shli %shift_right_arithmetic3A_576, %shift_left3A_577 : vector<16xi32>
          %add3A_579 = arith.addi %add3A_573, %shift_left3A_578 : vector<16xi32>
          %and3A_580 = arith.constant 127 : i32
          %and3A_581 = vector.broadcast %and3A_580 : i32 to vector<16xi32>
          %and3A_582 = arith.andi %add3A_567, %and3A_581 : vector<16xi32>
          %add3A_583 = arith.addi %add3A_579, %and3A_582 : vector<16xi32>
          %shift_right_arithmetic3A_584 = arith.constant 7 : i32
          %shift_right_arithmetic3A_585 = vector.broadcast %shift_right_arithmetic3A_584 : i32 to vector<16xi32>
          %shift_right_arithmetic3A_586 = arith.shrsi %add3A_570, %shift_right_arithmetic3A_585 : vector<16xi32>
          %shift_left3A_587 = arith.constant 10 : i32
          %shift_left3A_588 = vector.broadcast %shift_left3A_587 : i32 to vector<16xi32>
          %shift_left3A_589 = arith.shli %shift_right_arithmetic3A_586, %shift_left3A_588 : vector<16xi32>
          %add3A_590 = arith.addi %add3A_573, %shift_left3A_589 : vector<16xi32>
          %and3A_591 = arith.constant 127 : i32
          %and3A_592 = vector.broadcast %and3A_591 : i32 to vector<16xi32>
          %and3A_593 = arith.andi %add3A_570, %and3A_592 : vector<16xi32>
          %add3A_594 = arith.addi %add3A_590, %and3A_593 : vector<16xi32>
          tpu.vector_store_idx %arg11[%add3A_583], %mul3A_555 {add = true} : memref<65536xf32, #tpu.memory_space<vmem>>[vector<16xi32>], vector<16xf32>,
          tpu.vector_store_idx %arg11[%add3A_594], %mul3A_555 {add = true} : memref<65536xf32, #tpu.memory_space<vmem>>[vector<16xi32>], vector<16xf32>,
          %jit3A_595 = arith.constant 1.000000e+00 : f32
          %jit3A_596 = arith.constant 0.000000e+00 : f32
          %broadcast_in_dim3A_597 = vector.broadcast %jit3A_595 : f32 to vector<16xf32>
          %broadcast_in_dim3A_598 = vector.broadcast %jit3A_596 : f32 to vector<16xf32>
          %select_n3A_599 = arith.select %ne3A_551, %broadcast_in_dim3A_597, %broadcast_in_dim3A_598 : vector<16xi1>, vector<16xf32>
          %add3A_600 = arith.addf %scan3A_524, %select_n3A_599 : vector<16xf32>
          %get3A_601 = arith.index_cast %scan3A_523 : i32 to index
          %get3A_602 = arith.constant 16 : index
          %get3A_603 = tpu.vector_load %arg8[%get3A_601, %get3A_602] {strides = array<i32>} : memref<120x128xi32, #tpu.memory_space<vmem>>, vector<16xi32>,
          %add3A_604 = arith.constant 40 : i32
          %add3A_605 = arith.addi %scan3A_523, %add3A_604 : i32
          %get3A_606 = arith.index_cast %add3A_605 : i32 to index
          %get3A_607 = arith.constant 16 : index
          %get3A_608 = tpu.vector_load %arg8[%get3A_606, %get3A_607] {strides = array<i32>} : memref<120x128xi32, #tpu.memory_space<vmem>>, vector<16xi32>,
          %add3A_609 = arith.constant 80 : i32
          %add3A_610 = arith.addi %scan3A_523, %add3A_609 : i32
          %get3A_611 = arith.index_cast %add3A_610 : i32 to index
          %get3A_612 = arith.constant 16 : index
          %get3A_613 = tpu.vector_load %arg8[%get3A_611, %get3A_612] {strides = array<i32>} : memref<120x128xi32, #tpu.memory_space<vmem>>, vector<16xi32>,
          %jit3A_614 = arith.constant 0 : i32
          %jit3A_615 = arith.constant 255 : i32
          %max3A_616 = vector.broadcast %jit3A_614 : i32 to vector<16xi32>
          %max3A_617 = arith.maxsi %max3A_616, %get3A_608 : vector<16xi32>
          %min3A_618 = vector.broadcast %jit3A_615 : i32 to vector<16xi32>
          %min3A_619 = arith.minsi %min3A_618, %max3A_617 : vector<16xi32>
          %gather3A_620 = tpu.vector_load_idx %arg10[%min3A_619] : memref<256xf32, #tpu.memory_space<vmem>>[vector<16xi32>], vector<16xf32>,
          %ne3A_621 = arith.constant 255 : i32
          %ne3A_622 = vector.broadcast %ne3A_621 : i32 to vector<16xi32>
          %ne3A_623 = arith.cmpi ne, %get3A_603, %ne3A_622 : vector<16xi32>
          %convert_element_type3A_624 = arith.sitofp %get3A_613 : vector<16xi32> to vector<16xf32>
          %jit3A_625 = arith.constant 0.000000e+00 : f32
          %broadcast_in_dim3A_626 = vector.broadcast %jit3A_625 : f32 to vector<16xf32>
          %select_n3A_627 = arith.select %ne3A_623, %convert_element_type3A_624, %broadcast_in_dim3A_626 : vector<16xi1>, vector<16xf32>
          %mul3A_628 = arith.mulf %select_n3A_627, %gather3A_620 : vector<16xf32>
          %shift_right_arithmetic3A_629 = arith.constant 4 : i32
          %shift_right_arithmetic3A_630 = vector.broadcast %shift_right_arithmetic3A_629 : i32 to vector<16xi32>
          %shift_right_arithmetic3A_631 = arith.shrsi %get3A_603, %shift_right_arithmetic3A_630 : vector<16xi32>
          %and3A_632 = arith.constant 15 : i32
          %and3A_633 = vector.broadcast %and3A_632 : i32 to vector<16xi32>
          %and3A_634 = arith.andi %shift_right_arithmetic3A_631, %and3A_633 : vector<16xi32>
          %mul3A_635 = arith.constant 16 : i32
          %mul3A_636 = vector.broadcast %mul3A_635 : i32 to vector<16xi32>
          %mul3A_637 = arith.muli %and3A_634, %mul3A_636 : vector<16xi32>
          %and3A_638 = arith.constant 15 : i32
          %and3A_639 = vector.broadcast %and3A_638 : i32 to vector<16xi32>
          %and3A_640 = arith.andi %get3A_603, %and3A_639 : vector<16xi32>
          %add3A_641 = arith.addi %mul3A_637, %and3A_640 : vector<16xi32>
          %add3A_642 = arith.constant 256 : i32
          %add3A_643 = vector.broadcast %add3A_642 : i32 to vector<16xi32>
          %add3A_644 = arith.addi %add3A_643, %min3A_619 : vector<16xi32>
          %add3A_645 = arith.constant 8192 : i32
          %add3A_646 = vector.broadcast %add3A_645 : i32 to vector<16xi32>
          %add3A_647 = arith.addi %add3A_335, %add3A_646 : vector<16xi32>
          %shift_right_arithmetic3A_648 = arith.constant 7 : i32
          %shift_right_arithmetic3A_649 = vector.broadcast %shift_right_arithmetic3A_648 : i32 to vector<16xi32>
          %shift_right_arithmetic3A_650 = arith.shrsi %add3A_641, %shift_right_arithmetic3A_649 : vector<16xi32>
          %shift_left3A_651 = arith.constant 10 : i32
          %shift_left3A_652 = vector.broadcast %shift_left3A_651 : i32 to vector<16xi32>
          %shift_left3A_653 = arith.shli %shift_right_arithmetic3A_650, %shift_left3A_652 : vector<16xi32>
          %add3A_654 = arith.addi %add3A_647, %shift_left3A_653 : vector<16xi32>
          %and3A_655 = arith.constant 127 : i32
          %and3A_656 = vector.broadcast %and3A_655 : i32 to vector<16xi32>
          %and3A_657 = arith.andi %add3A_641, %and3A_656 : vector<16xi32>
          %add3A_658 = arith.addi %add3A_654, %and3A_657 : vector<16xi32>
          %shift_right_arithmetic3A_659 = arith.constant 7 : i32
          %shift_right_arithmetic3A_660 = vector.broadcast %shift_right_arithmetic3A_659 : i32 to vector<16xi32>
          %shift_right_arithmetic3A_661 = arith.shrsi %add3A_644, %shift_right_arithmetic3A_660 : vector<16xi32>
          %shift_left3A_662 = arith.constant 10 : i32
          %shift_left3A_663 = vector.broadcast %shift_left3A_662 : i32 to vector<16xi32>
          %shift_left3A_664 = arith.shli %shift_right_arithmetic3A_661, %shift_left3A_663 : vector<16xi32>
          %add3A_665 = arith.addi %add3A_647, %shift_left3A_664 : vector<16xi32>
          %and3A_666 = arith.constant 127 : i32
          %and3A_667 = vector.broadcast %and3A_666 : i32 to vector<16xi32>
          %and3A_668 = arith.andi %add3A_644, %and3A_667 : vector<16xi32>
          %add3A_669 = arith.addi %add3A_665, %and3A_668 : vector<16xi32>
          tpu.vector_store_idx %arg11[%add3A_658], %mul3A_628 {add = true} : memref<65536xf32, #tpu.memory_space<vmem>>[vector<16xi32>], vector<16xf32>,
          tpu.vector_store_idx %arg11[%add3A_669], %mul3A_628 {add = true} : memref<65536xf32, #tpu.memory_space<vmem>>[vector<16xi32>], vector<16xf32>,
          %jit3A_670 = arith.constant 1.000000e+00 : f32
          %jit3A_671 = arith.constant 0.000000e+00 : f32
          %broadcast_in_dim3A_672 = vector.broadcast %jit3A_670 : f32 to vector<16xf32>
          %broadcast_in_dim3A_673 = vector.broadcast %jit3A_671 : f32 to vector<16xf32>
          %select_n3A_674 = arith.select %ne3A_623, %broadcast_in_dim3A_672, %broadcast_in_dim3A_673 : vector<16xi1>, vector<16xf32>
          %add3A_675 = arith.addf %scan3A_525, %select_n3A_674 : vector<16xf32>
          %get3A_676 = arith.index_cast %scan3A_523 : i32 to index
          %get3A_677 = arith.constant 32 : index
          %get3A_678 = tpu.vector_load %arg8[%get3A_676, %get3A_677] {strides = array<i32>} : memref<120x128xi32, #tpu.memory_space<vmem>>, vector<16xi32>,
          %add3A_679 = arith.constant 40 : i32
          %add3A_680 = arith.addi %scan3A_523, %add3A_679 : i32
          %get3A_681 = arith.index_cast %add3A_680 : i32 to index
          %get3A_682 = arith.constant 32 : index
          %get3A_683 = tpu.vector_load %arg8[%get3A_681, %get3A_682] {strides = array<i32>} : memref<120x128xi32, #tpu.memory_space<vmem>>, vector<16xi32>,
          %add3A_684 = arith.constant 80 : i32
          %add3A_685 = arith.addi %scan3A_523, %add3A_684 : i32
          %get3A_686 = arith.index_cast %add3A_685 : i32 to index
          %get3A_687 = arith.constant 32 : index
          %get3A_688 = tpu.vector_load %arg8[%get3A_686, %get3A_687] {strides = array<i32>} : memref<120x128xi32, #tpu.memory_space<vmem>>, vector<16xi32>,
          %jit3A_689 = arith.constant 0 : i32
          %jit3A_690 = arith.constant 255 : i32
          %max3A_691 = vector.broadcast %jit3A_689 : i32 to vector<16xi32>
          %max3A_692 = arith.maxsi %max3A_691, %get3A_683 : vector<16xi32>
          %min3A_693 = vector.broadcast %jit3A_690 : i32 to vector<16xi32>
          %min3A_694 = arith.minsi %min3A_693, %max3A_692 : vector<16xi32>
          %gather3A_695 = tpu.vector_load_idx %arg10[%min3A_694] : memref<256xf32, #tpu.memory_space<vmem>>[vector<16xi32>], vector<16xf32>,
          %ne3A_696 = arith.constant 255 : i32
          %ne3A_697 = vector.broadcast %ne3A_696 : i32 to vector<16xi32>
          %ne3A_698 = arith.cmpi ne, %get3A_678, %ne3A_697 : vector<16xi32>
          %convert_element_type3A_699 = arith.sitofp %get3A_688 : vector<16xi32> to vector<16xf32>
          %jit3A_700 = arith.constant 0.000000e+00 : f32
          %broadcast_in_dim3A_701 = vector.broadcast %jit3A_700 : f32 to vector<16xf32>
          %select_n3A_702 = arith.select %ne3A_698, %convert_element_type3A_699, %broadcast_in_dim3A_701 : vector<16xi1>, vector<16xf32>
          %mul3A_703 = arith.mulf %select_n3A_702, %gather3A_695 : vector<16xf32>
          %shift_right_arithmetic3A_704 = arith.constant 4 : i32
          %shift_right_arithmetic3A_705 = vector.broadcast %shift_right_arithmetic3A_704 : i32 to vector<16xi32>
          %shift_right_arithmetic3A_706 = arith.shrsi %get3A_678, %shift_right_arithmetic3A_705 : vector<16xi32>
          %and3A_707 = arith.constant 15 : i32
          %and3A_708 = vector.broadcast %and3A_707 : i32 to vector<16xi32>
          %and3A_709 = arith.andi %shift_right_arithmetic3A_706, %and3A_708 : vector<16xi32>
          %mul3A_710 = arith.constant 16 : i32
          %mul3A_711 = vector.broadcast %mul3A_710 : i32 to vector<16xi32>
          %mul3A_712 = arith.muli %and3A_709, %mul3A_711 : vector<16xi32>
          %and3A_713 = arith.constant 15 : i32
          %and3A_714 = vector.broadcast %and3A_713 : i32 to vector<16xi32>
          %and3A_715 = arith.andi %get3A_678, %and3A_714 : vector<16xi32>
          %add3A_716 = arith.addi %mul3A_712, %and3A_715 : vector<16xi32>
          %add3A_717 = arith.constant 256 : i32
          %add3A_718 = vector.broadcast %add3A_717 : i32 to vector<16xi32>
          %add3A_719 = arith.addi %add3A_718, %min3A_694 : vector<16xi32>
          %add3A_720 = arith.constant 16384 : i32
          %add3A_721 = vector.broadcast %add3A_720 : i32 to vector<16xi32>
          %add3A_722 = arith.addi %add3A_335, %add3A_721 : vector<16xi32>
          %shift_right_arithmetic3A_723 = arith.constant 7 : i32
          %shift_right_arithmetic3A_724 = vector.broadcast %shift_right_arithmetic3A_723 : i32 to vector<16xi32>
          %shift_right_arithmetic3A_725 = arith.shrsi %add3A_716, %shift_right_arithmetic3A_724 : vector<16xi32>
          %shift_left3A_726 = arith.constant 10 : i32
          %shift_left3A_727 = vector.broadcast %shift_left3A_726 : i32 to vector<16xi32>
          %shift_left3A_728 = arith.shli %shift_right_arithmetic3A_725, %shift_left3A_727 : vector<16xi32>
          %add3A_729 = arith.addi %add3A_722, %shift_left3A_728 : vector<16xi32>
          %and3A_730 = arith.constant 127 : i32
          %and3A_731 = vector.broadcast %and3A_730 : i32 to vector<16xi32>
          %and3A_732 = arith.andi %add3A_716, %and3A_731 : vector<16xi32>
          %add3A_733 = arith.addi %add3A_729, %and3A_732 : vector<16xi32>
          %shift_right_arithmetic3A_734 = arith.constant 7 : i32
          %shift_right_arithmetic3A_735 = vector.broadcast %shift_right_arithmetic3A_734 : i32 to vector<16xi32>
          %shift_right_arithmetic3A_736 = arith.shrsi %add3A_719, %shift_right_arithmetic3A_735 : vector<16xi32>
          %shift_left3A_737 = arith.constant 10 : i32
          %shift_left3A_738 = vector.broadcast %shift_left3A_737 : i32 to vector<16xi32>
          %shift_left3A_739 = arith.shli %shift_right_arithmetic3A_736, %shift_left3A_738 : vector<16xi32>
          %add3A_740 = arith.addi %add3A_722, %shift_left3A_739 : vector<16xi32>
          %and3A_741 = arith.constant 127 : i32
          %and3A_742 = vector.broadcast %and3A_741 : i32 to vector<16xi32>
          %and3A_743 = arith.andi %add3A_719, %and3A_742 : vector<16xi32>
          %add3A_744 = arith.addi %add3A_740, %and3A_743 : vector<16xi32>
          tpu.vector_store_idx %arg11[%add3A_733], %mul3A_703 {add = true} : memref<65536xf32, #tpu.memory_space<vmem>>[vector<16xi32>], vector<16xf32>,
          tpu.vector_store_idx %arg11[%add3A_744], %mul3A_703 {add = true} : memref<65536xf32, #tpu.memory_space<vmem>>[vector<16xi32>], vector<16xf32>,
          %jit3A_745 = arith.constant 1.000000e+00 : f32
          %jit3A_746 = arith.constant 0.000000e+00 : f32
          %broadcast_in_dim3A_747 = vector.broadcast %jit3A_745 : f32 to vector<16xf32>
          %broadcast_in_dim3A_748 = vector.broadcast %jit3A_746 : f32 to vector<16xf32>
          %select_n3A_749 = arith.select %ne3A_698, %broadcast_in_dim3A_747, %broadcast_in_dim3A_748 : vector<16xi1>, vector<16xf32>
          %add3A_750 = arith.addf %scan3A_526, %select_n3A_749 : vector<16xf32>
          %get3A_751 = arith.index_cast %scan3A_523 : i32 to index
          %get3A_752 = arith.constant 48 : index
          %get3A_753 = tpu.vector_load %arg8[%get3A_751, %get3A_752] {strides = array<i32>} : memref<120x128xi32, #tpu.memory_space<vmem>>, vector<16xi32>,
          %add3A_754 = arith.constant 40 : i32
          %add3A_755 = arith.addi %scan3A_523, %add3A_754 : i32
          %get3A_756 = arith.index_cast %add3A_755 : i32 to index
          %get3A_757 = arith.constant 48 : index
          %get3A_758 = tpu.vector_load %arg8[%get3A_756, %get3A_757] {strides = array<i32>} : memref<120x128xi32, #tpu.memory_space<vmem>>, vector<16xi32>,
          %add3A_759 = arith.constant 80 : i32
          %add3A_760 = arith.addi %scan3A_523, %add3A_759 : i32
          %get3A_761 = arith.index_cast %add3A_760 : i32 to index
          %get3A_762 = arith.constant 48 : index
          %get3A_763 = tpu.vector_load %arg8[%get3A_761, %get3A_762] {strides = array<i32>} : memref<120x128xi32, #tpu.memory_space<vmem>>, vector<16xi32>,
          %jit3A_764 = arith.constant 0 : i32
          %jit3A_765 = arith.constant 255 : i32
          %max3A_766 = vector.broadcast %jit3A_764 : i32 to vector<16xi32>
          %max3A_767 = arith.maxsi %max3A_766, %get3A_758 : vector<16xi32>
          %min3A_768 = vector.broadcast %jit3A_765 : i32 to vector<16xi32>
          %min3A_769 = arith.minsi %min3A_768, %max3A_767 : vector<16xi32>
          %gather3A_770 = tpu.vector_load_idx %arg10[%min3A_769] : memref<256xf32, #tpu.memory_space<vmem>>[vector<16xi32>], vector<16xf32>,
          %ne3A_771 = arith.constant 255 : i32
          %ne3A_772 = vector.broadcast %ne3A_771 : i32 to vector<16xi32>
          %ne3A_773 = arith.cmpi ne, %get3A_753, %ne3A_772 : vector<16xi32>
          %convert_element_type3A_774 = arith.sitofp %get3A_763 : vector<16xi32> to vector<16xf32>
          %jit3A_775 = arith.constant 0.000000e+00 : f32
          %broadcast_in_dim3A_776 = vector.broadcast %jit3A_775 : f32 to vector<16xf32>
          %select_n3A_777 = arith.select %ne3A_773, %convert_element_type3A_774, %broadcast_in_dim3A_776 : vector<16xi1>, vector<16xf32>
          %mul3A_778 = arith.mulf %select_n3A_777, %gather3A_770 : vector<16xf32>
          %shift_right_arithmetic3A_779 = arith.constant 4 : i32
          %shift_right_arithmetic3A_780 = vector.broadcast %shift_right_arithmetic3A_779 : i32 to vector<16xi32>
          %shift_right_arithmetic3A_781 = arith.shrsi %get3A_753, %shift_right_arithmetic3A_780 : vector<16xi32>
          %and3A_782 = arith.constant 15 : i32
          %and3A_783 = vector.broadcast %and3A_782 : i32 to vector<16xi32>
          %and3A_784 = arith.andi %shift_right_arithmetic3A_781, %and3A_783 : vector<16xi32>
          %mul3A_785 = arith.constant 16 : i32
          %mul3A_786 = vector.broadcast %mul3A_785 : i32 to vector<16xi32>
          %mul3A_787 = arith.muli %and3A_784, %mul3A_786 : vector<16xi32>
          %and3A_788 = arith.constant 15 : i32
          %and3A_789 = vector.broadcast %and3A_788 : i32 to vector<16xi32>
          %and3A_790 = arith.andi %get3A_753, %and3A_789 : vector<16xi32>
          %add3A_791 = arith.addi %mul3A_787, %and3A_790 : vector<16xi32>
          %add3A_792 = arith.constant 256 : i32
          %add3A_793 = vector.broadcast %add3A_792 : i32 to vector<16xi32>
          %add3A_794 = arith.addi %add3A_793, %min3A_769 : vector<16xi32>
          %add3A_795 = arith.constant 24576 : i32
          %add3A_796 = vector.broadcast %add3A_795 : i32 to vector<16xi32>
          %add3A_797 = arith.addi %add3A_335, %add3A_796 : vector<16xi32>
          %shift_right_arithmetic3A_798 = arith.constant 7 : i32
          %shift_right_arithmetic3A_799 = vector.broadcast %shift_right_arithmetic3A_798 : i32 to vector<16xi32>
          %shift_right_arithmetic3A_800 = arith.shrsi %add3A_791, %shift_right_arithmetic3A_799 : vector<16xi32>
          %shift_left3A_801 = arith.constant 10 : i32
          %shift_left3A_802 = vector.broadcast %shift_left3A_801 : i32 to vector<16xi32>
          %shift_left3A_803 = arith.shli %shift_right_arithmetic3A_800, %shift_left3A_802 : vector<16xi32>
          %add3A_804 = arith.addi %add3A_797, %shift_left3A_803 : vector<16xi32>
          %and3A_805 = arith.constant 127 : i32
          %and3A_806 = vector.broadcast %and3A_805 : i32 to vector<16xi32>
          %and3A_807 = arith.andi %add3A_791, %and3A_806 : vector<16xi32>
          %add3A_808 = arith.addi %add3A_804, %and3A_807 : vector<16xi32>
          %shift_right_arithmetic3A_809 = arith.constant 7 : i32
          %shift_right_arithmetic3A_810 = vector.broadcast %shift_right_arithmetic3A_809 : i32 to vector<16xi32>
          %shift_right_arithmetic3A_811 = arith.shrsi %add3A_794, %shift_right_arithmetic3A_810 : vector<16xi32>
          %shift_left3A_812 = arith.constant 10 : i32
          %shift_left3A_813 = vector.broadcast %shift_left3A_812 : i32 to vector<16xi32>
          %shift_left3A_814 = arith.shli %shift_right_arithmetic3A_811, %shift_left3A_813 : vector<16xi32>
          %add3A_815 = arith.addi %add3A_797, %shift_left3A_814 : vector<16xi32>
          %and3A_816 = arith.constant 127 : i32
          %and3A_817 = vector.broadcast %and3A_816 : i32 to vector<16xi32>
          %and3A_818 = arith.andi %add3A_794, %and3A_817 : vector<16xi32>
          %add3A_819 = arith.addi %add3A_815, %and3A_818 : vector<16xi32>
          tpu.vector_store_idx %arg11[%add3A_808], %mul3A_778 {add = true} : memref<65536xf32, #tpu.memory_space<vmem>>[vector<16xi32>], vector<16xf32>,
          tpu.vector_store_idx %arg11[%add3A_819], %mul3A_778 {add = true} : memref<65536xf32, #tpu.memory_space<vmem>>[vector<16xi32>], vector<16xf32>,
          %jit3A_820 = arith.constant 1.000000e+00 : f32
          %jit3A_821 = arith.constant 0.000000e+00 : f32
          %broadcast_in_dim3A_822 = vector.broadcast %jit3A_820 : f32 to vector<16xf32>
          %broadcast_in_dim3A_823 = vector.broadcast %jit3A_821 : f32 to vector<16xf32>
          %select_n3A_824 = arith.select %ne3A_773, %broadcast_in_dim3A_822, %broadcast_in_dim3A_823 : vector<16xi1>, vector<16xf32>
          %add3A_825 = arith.addf %scan3A_527, %select_n3A_824 : vector<16xf32>
          %get3A_826 = arith.index_cast %scan3A_523 : i32 to index
          %get3A_827 = arith.constant 64 : index
          %get3A_828 = tpu.vector_load %arg8[%get3A_826, %get3A_827] {strides = array<i32>} : memref<120x128xi32, #tpu.memory_space<vmem>>, vector<16xi32>,
          %add3A_829 = arith.constant 40 : i32
          %add3A_830 = arith.addi %scan3A_523, %add3A_829 : i32
          %get3A_831 = arith.index_cast %add3A_830 : i32 to index
          %get3A_832 = arith.constant 64 : index
          %get3A_833 = tpu.vector_load %arg8[%get3A_831, %get3A_832] {strides = array<i32>} : memref<120x128xi32, #tpu.memory_space<vmem>>, vector<16xi32>,
          %add3A_834 = arith.constant 80 : i32
          %add3A_835 = arith.addi %scan3A_523, %add3A_834 : i32
          %get3A_836 = arith.index_cast %add3A_835 : i32 to index
          %get3A_837 = arith.constant 64 : index
          %get3A_838 = tpu.vector_load %arg8[%get3A_836, %get3A_837] {strides = array<i32>} : memref<120x128xi32, #tpu.memory_space<vmem>>, vector<16xi32>,
          %jit3A_839 = arith.constant 0 : i32
          %jit3A_840 = arith.constant 255 : i32
          %max3A_841 = vector.broadcast %jit3A_839 : i32 to vector<16xi32>
          %max3A_842 = arith.maxsi %max3A_841, %get3A_833 : vector<16xi32>
          %min3A_843 = vector.broadcast %jit3A_840 : i32 to vector<16xi32>
          %min3A_844 = arith.minsi %min3A_843, %max3A_842 : vector<16xi32>
          %gather3A_845 = tpu.vector_load_idx %arg10[%min3A_844] : memref<256xf32, #tpu.memory_space<vmem>>[vector<16xi32>], vector<16xf32>,
          %ne3A_846 = arith.constant 255 : i32
          %ne3A_847 = vector.broadcast %ne3A_846 : i32 to vector<16xi32>
          %ne3A_848 = arith.cmpi ne, %get3A_828, %ne3A_847 : vector<16xi32>
          %convert_element_type3A_849 = arith.sitofp %get3A_838 : vector<16xi32> to vector<16xf32>
          %jit3A_850 = arith.constant 0.000000e+00 : f32
          %broadcast_in_dim3A_851 = vector.broadcast %jit3A_850 : f32 to vector<16xf32>
          %select_n3A_852 = arith.select %ne3A_848, %convert_element_type3A_849, %broadcast_in_dim3A_851 : vector<16xi1>, vector<16xf32>
          %mul3A_853 = arith.mulf %select_n3A_852, %gather3A_845 : vector<16xf32>
          %shift_right_arithmetic3A_854 = arith.constant 4 : i32
          %shift_right_arithmetic3A_855 = vector.broadcast %shift_right_arithmetic3A_854 : i32 to vector<16xi32>
          %shift_right_arithmetic3A_856 = arith.shrsi %get3A_828, %shift_right_arithmetic3A_855 : vector<16xi32>
          %and3A_857 = arith.constant 15 : i32
          %and3A_858 = vector.broadcast %and3A_857 : i32 to vector<16xi32>
          %and3A_859 = arith.andi %shift_right_arithmetic3A_856, %and3A_858 : vector<16xi32>
          %mul3A_860 = arith.constant 16 : i32
          %mul3A_861 = vector.broadcast %mul3A_860 : i32 to vector<16xi32>
          %mul3A_862 = arith.muli %and3A_859, %mul3A_861 : vector<16xi32>
          %and3A_863 = arith.constant 15 : i32
          %and3A_864 = vector.broadcast %and3A_863 : i32 to vector<16xi32>
          %and3A_865 = arith.andi %get3A_828, %and3A_864 : vector<16xi32>
          %add3A_866 = arith.addi %mul3A_862, %and3A_865 : vector<16xi32>
          %add3A_867 = arith.constant 256 : i32
          %add3A_868 = vector.broadcast %add3A_867 : i32 to vector<16xi32>
          %add3A_869 = arith.addi %add3A_868, %min3A_844 : vector<16xi32>
          %add3A_870 = arith.constant 32768 : i32
          %add3A_871 = vector.broadcast %add3A_870 : i32 to vector<16xi32>
          %add3A_872 = arith.addi %add3A_335, %add3A_871 : vector<16xi32>
          %shift_right_arithmetic3A_873 = arith.constant 7 : i32
          %shift_right_arithmetic3A_874 = vector.broadcast %shift_right_arithmetic3A_873 : i32 to vector<16xi32>
          %shift_right_arithmetic3A_875 = arith.shrsi %add3A_866, %shift_right_arithmetic3A_874 : vector<16xi32>
          %shift_left3A_876 = arith.constant 10 : i32
          %shift_left3A_877 = vector.broadcast %shift_left3A_876 : i32 to vector<16xi32>
          %shift_left3A_878 = arith.shli %shift_right_arithmetic3A_875, %shift_left3A_877 : vector<16xi32>
          %add3A_879 = arith.addi %add3A_872, %shift_left3A_878 : vector<16xi32>
          %and3A_880 = arith.constant 127 : i32
          %and3A_881 = vector.broadcast %and3A_880 : i32 to vector<16xi32>
          %and3A_882 = arith.andi %add3A_866, %and3A_881 : vector<16xi32>
          %add3A_883 = arith.addi %add3A_879, %and3A_882 : vector<16xi32>
          %shift_right_arithmetic3A_884 = arith.constant 7 : i32
          %shift_right_arithmetic3A_885 = vector.broadcast %shift_right_arithmetic3A_884 : i32 to vector<16xi32>
          %shift_right_arithmetic3A_886 = arith.shrsi %add3A_869, %shift_right_arithmetic3A_885 : vector<16xi32>
          %shift_left3A_887 = arith.constant 10 : i32
          %shift_left3A_888 = vector.broadcast %shift_left3A_887 : i32 to vector<16xi32>
          %shift_left3A_889 = arith.shli %shift_right_arithmetic3A_886, %shift_left3A_888 : vector<16xi32>
          %add3A_890 = arith.addi %add3A_872, %shift_left3A_889 : vector<16xi32>
          %and3A_891 = arith.constant 127 : i32
          %and3A_892 = vector.broadcast %and3A_891 : i32 to vector<16xi32>
          %and3A_893 = arith.andi %add3A_869, %and3A_892 : vector<16xi32>
          %add3A_894 = arith.addi %add3A_890, %and3A_893 : vector<16xi32>
          tpu.vector_store_idx %arg11[%add3A_883], %mul3A_853 {add = true} : memref<65536xf32, #tpu.memory_space<vmem>>[vector<16xi32>], vector<16xf32>,
          tpu.vector_store_idx %arg11[%add3A_894], %mul3A_853 {add = true} : memref<65536xf32, #tpu.memory_space<vmem>>[vector<16xi32>], vector<16xf32>,
          %jit3A_895 = arith.constant 1.000000e+00 : f32
          %jit3A_896 = arith.constant 0.000000e+00 : f32
          %broadcast_in_dim3A_897 = vector.broadcast %jit3A_895 : f32 to vector<16xf32>
          %broadcast_in_dim3A_898 = vector.broadcast %jit3A_896 : f32 to vector<16xf32>
          %select_n3A_899 = arith.select %ne3A_848, %broadcast_in_dim3A_897, %broadcast_in_dim3A_898 : vector<16xi1>, vector<16xf32>
          %add3A_900 = arith.addf %scan3A_528, %select_n3A_899 : vector<16xf32>
          %get3A_901 = arith.index_cast %scan3A_523 : i32 to index
          %get3A_902 = arith.constant 80 : index
          %get3A_903 = tpu.vector_load %arg8[%get3A_901, %get3A_902] {strides = array<i32>} : memref<120x128xi32, #tpu.memory_space<vmem>>, vector<16xi32>,
          %add3A_904 = arith.constant 40 : i32
          %add3A_905 = arith.addi %scan3A_523, %add3A_904 : i32
          %get3A_906 = arith.index_cast %add3A_905 : i32 to index
          %get3A_907 = arith.constant 80 : index
          %get3A_908 = tpu.vector_load %arg8[%get3A_906, %get3A_907] {strides = array<i32>} : memref<120x128xi32, #tpu.memory_space<vmem>>, vector<16xi32>,
          %add3A_909 = arith.constant 80 : i32
          %add3A_910 = arith.addi %scan3A_523, %add3A_909 : i32
          %get3A_911 = arith.index_cast %add3A_910 : i32 to index
          %get3A_912 = arith.constant 80 : index
          %get3A_913 = tpu.vector_load %arg8[%get3A_911, %get3A_912] {strides = array<i32>} : memref<120x128xi32, #tpu.memory_space<vmem>>, vector<16xi32>,
          %jit3A_914 = arith.constant 0 : i32
          %jit3A_915 = arith.constant 255 : i32
          %max3A_916 = vector.broadcast %jit3A_914 : i32 to vector<16xi32>
          %max3A_917 = arith.maxsi %max3A_916, %get3A_908 : vector<16xi32>
          %min3A_918 = vector.broadcast %jit3A_915 : i32 to vector<16xi32>
          %min3A_919 = arith.minsi %min3A_918, %max3A_917 : vector<16xi32>
          %gather3A_920 = tpu.vector_load_idx %arg10[%min3A_919] : memref<256xf32, #tpu.memory_space<vmem>>[vector<16xi32>], vector<16xf32>,
          %ne3A_921 = arith.constant 255 : i32
          %ne3A_922 = vector.broadcast %ne3A_921 : i32 to vector<16xi32>
          %ne3A_923 = arith.cmpi ne, %get3A_903, %ne3A_922 : vector<16xi32>
          %convert_element_type3A_924 = arith.sitofp %get3A_913 : vector<16xi32> to vector<16xf32>
          %jit3A_925 = arith.constant 0.000000e+00 : f32
          %broadcast_in_dim3A_926 = vector.broadcast %jit3A_925 : f32 to vector<16xf32>
          %select_n3A_927 = arith.select %ne3A_923, %convert_element_type3A_924, %broadcast_in_dim3A_926 : vector<16xi1>, vector<16xf32>
          %mul3A_928 = arith.mulf %select_n3A_927, %gather3A_920 : vector<16xf32>
          %shift_right_arithmetic3A_929 = arith.constant 4 : i32
          %shift_right_arithmetic3A_930 = vector.broadcast %shift_right_arithmetic3A_929 : i32 to vector<16xi32>
          %shift_right_arithmetic3A_931 = arith.shrsi %get3A_903, %shift_right_arithmetic3A_930 : vector<16xi32>
          %and3A_932 = arith.constant 15 : i32
          %and3A_933 = vector.broadcast %and3A_932 : i32 to vector<16xi32>
          %and3A_934 = arith.andi %shift_right_arithmetic3A_931, %and3A_933 : vector<16xi32>
          %mul3A_935 = arith.constant 16 : i32
          %mul3A_936 = vector.broadcast %mul3A_935 : i32 to vector<16xi32>
          %mul3A_937 = arith.muli %and3A_934, %mul3A_936 : vector<16xi32>
          %and3A_938 = arith.constant 15 : i32
          %and3A_939 = vector.broadcast %and3A_938 : i32 to vector<16xi32>
          %and3A_940 = arith.andi %get3A_903, %and3A_939 : vector<16xi32>
          %add3A_941 = arith.addi %mul3A_937, %and3A_940 : vector<16xi32>
          %add3A_942 = arith.constant 256 : i32
          %add3A_943 = vector.broadcast %add3A_942 : i32 to vector<16xi32>
          %add3A_944 = arith.addi %add3A_943, %min3A_919 : vector<16xi32>
          %add3A_945 = arith.constant 40960 : i32
          %add3A_946 = vector.broadcast %add3A_945 : i32 to vector<16xi32>
          %add3A_947 = arith.addi %add3A_335, %add3A_946 : vector<16xi32>
          %shift_right_arithmetic3A_948 = arith.constant 7 : i32
          %shift_right_arithmetic3A_949 = vector.broadcast %shift_right_arithmetic3A_948 : i32 to vector<16xi32>
          %shift_right_arithmetic3A_950 = arith.shrsi %add3A_941, %shift_right_arithmetic3A_949 : vector<16xi32>
          %shift_left3A_951 = arith.constant 10 : i32
          %shift_left3A_952 = vector.broadcast %shift_left3A_951 : i32 to vector<16xi32>
          %shift_left3A_953 = arith.shli %shift_right_arithmetic3A_950, %shift_left3A_952 : vector<16xi32>
          %add3A_954 = arith.addi %add3A_947, %shift_left3A_953 : vector<16xi32>
          %and3A_955 = arith.constant 127 : i32
          %and3A_956 = vector.broadcast %and3A_955 : i32 to vector<16xi32>
          %and3A_957 = arith.andi %add3A_941, %and3A_956 : vector<16xi32>
          %add3A_958 = arith.addi %add3A_954, %and3A_957 : vector<16xi32>
          %shift_right_arithmetic3A_959 = arith.constant 7 : i32
          %shift_right_arithmetic3A_960 = vector.broadcast %shift_right_arithmetic3A_959 : i32 to vector<16xi32>
          %shift_right_arithmetic3A_961 = arith.shrsi %add3A_944, %shift_right_arithmetic3A_960 : vector<16xi32>
          %shift_left3A_962 = arith.constant 10 : i32
          %shift_left3A_963 = vector.broadcast %shift_left3A_962 : i32 to vector<16xi32>
          %shift_left3A_964 = arith.shli %shift_right_arithmetic3A_961, %shift_left3A_963 : vector<16xi32>
          %add3A_965 = arith.addi %add3A_947, %shift_left3A_964 : vector<16xi32>
          %and3A_966 = arith.constant 127 : i32
          %and3A_967 = vector.broadcast %and3A_966 : i32 to vector<16xi32>
          %and3A_968 = arith.andi %add3A_944, %and3A_967 : vector<16xi32>
          %add3A_969 = arith.addi %add3A_965, %and3A_968 : vector<16xi32>
          tpu.vector_store_idx %arg11[%add3A_958], %mul3A_928 {add = true} : memref<65536xf32, #tpu.memory_space<vmem>>[vector<16xi32>], vector<16xf32>,
          tpu.vector_store_idx %arg11[%add3A_969], %mul3A_928 {add = true} : memref<65536xf32, #tpu.memory_space<vmem>>[vector<16xi32>], vector<16xf32>,
          %jit3A_970 = arith.constant 1.000000e+00 : f32
          %jit3A_971 = arith.constant 0.000000e+00 : f32
          %broadcast_in_dim3A_972 = vector.broadcast %jit3A_970 : f32 to vector<16xf32>
          %broadcast_in_dim3A_973 = vector.broadcast %jit3A_971 : f32 to vector<16xf32>
          %select_n3A_974 = arith.select %ne3A_923, %broadcast_in_dim3A_972, %broadcast_in_dim3A_973 : vector<16xi1>, vector<16xf32>
          %add3A_975 = arith.addf %scan3A_529, %select_n3A_974 : vector<16xf32>
          %get3A_976 = arith.index_cast %scan3A_523 : i32 to index
          %get3A_977 = arith.constant 96 : index
          %get3A_978 = tpu.vector_load %arg8[%get3A_976, %get3A_977] {strides = array<i32>} : memref<120x128xi32, #tpu.memory_space<vmem>>, vector<16xi32>,
          %add3A_979 = arith.constant 40 : i32
          %add3A_980 = arith.addi %scan3A_523, %add3A_979 : i32
          %get3A_981 = arith.index_cast %add3A_980 : i32 to index
          %get3A_982 = arith.constant 96 : index
          %get3A_983 = tpu.vector_load %arg8[%get3A_981, %get3A_982] {strides = array<i32>} : memref<120x128xi32, #tpu.memory_space<vmem>>, vector<16xi32>,
          %add3A_984 = arith.constant 80 : i32
          %add3A_985 = arith.addi %scan3A_523, %add3A_984 : i32
          %get3A_986 = arith.index_cast %add3A_985 : i32 to index
          %get3A_987 = arith.constant 96 : index
          %get3A_988 = tpu.vector_load %arg8[%get3A_986, %get3A_987] {strides = array<i32>} : memref<120x128xi32, #tpu.memory_space<vmem>>, vector<16xi32>,
          %jit3A_989 = arith.constant 0 : i32
          %jit3A_990 = arith.constant 255 : i32
          %max3A_991 = vector.broadcast %jit3A_989 : i32 to vector<16xi32>
          %max3A_992 = arith.maxsi %max3A_991, %get3A_983 : vector<16xi32>
          %min3A_993 = vector.broadcast %jit3A_990 : i32 to vector<16xi32>
          %min3A_994 = arith.minsi %min3A_993, %max3A_992 : vector<16xi32>
          %gather3A_995 = tpu.vector_load_idx %arg10[%min3A_994] : memref<256xf32, #tpu.memory_space<vmem>>[vector<16xi32>], vector<16xf32>,
          %ne3A_996 = arith.constant 255 : i32
          %ne3A_997 = vector.broadcast %ne3A_996 : i32 to vector<16xi32>
          %ne3A_998 = arith.cmpi ne, %get3A_978, %ne3A_997 : vector<16xi32>
          %convert_element_type3A_999 = arith.sitofp %get3A_988 : vector<16xi32> to vector<16xf32>
          %jit3A_1000 = arith.constant 0.000000e+00 : f32
          %broadcast_in_dim3A_1001 = vector.broadcast %jit3A_1000 : f32 to vector<16xf32>
          %select_n3A_1002 = arith.select %ne3A_998, %convert_element_type3A_999, %broadcast_in_dim3A_1001 : vector<16xi1>, vector<16xf32>
          %mul3A_1003 = arith.mulf %select_n3A_1002, %gather3A_995 : vector<16xf32>
          %shift_right_arithmetic3A_1004 = arith.constant 4 : i32
          %shift_right_arithmetic3A_1005 = vector.broadcast %shift_right_arithmetic3A_1004 : i32 to vector<16xi32>
          %shift_right_arithmetic3A_1006 = arith.shrsi %get3A_978, %shift_right_arithmetic3A_1005 : vector<16xi32>
          %and3A_1007 = arith.constant 15 : i32
          %and3A_1008 = vector.broadcast %and3A_1007 : i32 to vector<16xi32>
          %and3A_1009 = arith.andi %shift_right_arithmetic3A_1006, %and3A_1008 : vector<16xi32>
          %mul3A_1010 = arith.constant 16 : i32
          %mul3A_1011 = vector.broadcast %mul3A_1010 : i32 to vector<16xi32>
          %mul3A_1012 = arith.muli %and3A_1009, %mul3A_1011 : vector<16xi32>
          %and3A_1013 = arith.constant 15 : i32
          %and3A_1014 = vector.broadcast %and3A_1013 : i32 to vector<16xi32>
          %and3A_1015 = arith.andi %get3A_978, %and3A_1014 : vector<16xi32>
          %add3A_1016 = arith.addi %mul3A_1012, %and3A_1015 : vector<16xi32>
          %add3A_1017 = arith.constant 256 : i32
          %add3A_1018 = vector.broadcast %add3A_1017 : i32 to vector<16xi32>
          %add3A_1019 = arith.addi %add3A_1018, %min3A_994 : vector<16xi32>
          %add3A_1020 = arith.constant 49152 : i32
          %add3A_1021 = vector.broadcast %add3A_1020 : i32 to vector<16xi32>
          %add3A_1022 = arith.addi %add3A_335, %add3A_1021 : vector<16xi32>
          %shift_right_arithmetic3A_1023 = arith.constant 7 : i32
          %shift_right_arithmetic3A_1024 = vector.broadcast %shift_right_arithmetic3A_1023 : i32 to vector<16xi32>
          %shift_right_arithmetic3A_1025 = arith.shrsi %add3A_1016, %shift_right_arithmetic3A_1024 : vector<16xi32>
          %shift_left3A_1026 = arith.constant 10 : i32
          %shift_left3A_1027 = vector.broadcast %shift_left3A_1026 : i32 to vector<16xi32>
          %shift_left3A_1028 = arith.shli %shift_right_arithmetic3A_1025, %shift_left3A_1027 : vector<16xi32>
          %add3A_1029 = arith.addi %add3A_1022, %shift_left3A_1028 : vector<16xi32>
          %and3A_1030 = arith.constant 127 : i32
          %and3A_1031 = vector.broadcast %and3A_1030 : i32 to vector<16xi32>
          %and3A_1032 = arith.andi %add3A_1016, %and3A_1031 : vector<16xi32>
          %add3A_1033 = arith.addi %add3A_1029, %and3A_1032 : vector<16xi32>
          %shift_right_arithmetic3A_1034 = arith.constant 7 : i32
          %shift_right_arithmetic3A_1035 = vector.broadcast %shift_right_arithmetic3A_1034 : i32 to vector<16xi32>
          %shift_right_arithmetic3A_1036 = arith.shrsi %add3A_1019, %shift_right_arithmetic3A_1035 : vector<16xi32>
          %shift_left3A_1037 = arith.constant 10 : i32
          %shift_left3A_1038 = vector.broadcast %shift_left3A_1037 : i32 to vector<16xi32>
          %shift_left3A_1039 = arith.shli %shift_right_arithmetic3A_1036, %shift_left3A_1038 : vector<16xi32>
          %add3A_1040 = arith.addi %add3A_1022, %shift_left3A_1039 : vector<16xi32>
          %and3A_1041 = arith.constant 127 : i32
          %and3A_1042 = vector.broadcast %and3A_1041 : i32 to vector<16xi32>
          %and3A_1043 = arith.andi %add3A_1019, %and3A_1042 : vector<16xi32>
          %add3A_1044 = arith.addi %add3A_1040, %and3A_1043 : vector<16xi32>
          tpu.vector_store_idx %arg11[%add3A_1033], %mul3A_1003 {add = true} : memref<65536xf32, #tpu.memory_space<vmem>>[vector<16xi32>], vector<16xf32>,
          tpu.vector_store_idx %arg11[%add3A_1044], %mul3A_1003 {add = true} : memref<65536xf32, #tpu.memory_space<vmem>>[vector<16xi32>], vector<16xf32>,
          %jit3A_1045 = arith.constant 1.000000e+00 : f32
          %jit3A_1046 = arith.constant 0.000000e+00 : f32
          %broadcast_in_dim3A_1047 = vector.broadcast %jit3A_1045 : f32 to vector<16xf32>
          %broadcast_in_dim3A_1048 = vector.broadcast %jit3A_1046 : f32 to vector<16xf32>
          %select_n3A_1049 = arith.select %ne3A_998, %broadcast_in_dim3A_1047, %broadcast_in_dim3A_1048 : vector<16xi1>, vector<16xf32>
          %add3A_1050 = arith.addf %scan3A_530, %select_n3A_1049 : vector<16xf32>
          %get3A_1051 = arith.index_cast %scan3A_523 : i32 to index
          %get3A_1052 = arith.constant 112 : index
          %get3A_1053 = tpu.vector_load %arg8[%get3A_1051, %get3A_1052] {strides = array<i32>} : memref<120x128xi32, #tpu.memory_space<vmem>>, vector<16xi32>,
          %add3A_1054 = arith.constant 40 : i32
          %add3A_1055 = arith.addi %scan3A_523, %add3A_1054 : i32
          %get3A_1056 = arith.index_cast %add3A_1055 : i32 to index
          %get3A_1057 = arith.constant 112 : index
          %get3A_1058 = tpu.vector_load %arg8[%get3A_1056, %get3A_1057] {strides = array<i32>} : memref<120x128xi32, #tpu.memory_space<vmem>>, vector<16xi32>,
          %add3A_1059 = arith.constant 80 : i32
          %add3A_1060 = arith.addi %scan3A_523, %add3A_1059 : i32
          %get3A_1061 = arith.index_cast %add3A_1060 : i32 to index
          %get3A_1062 = arith.constant 112 : index
          %get3A_1063 = tpu.vector_load %arg8[%get3A_1061, %get3A_1062] {strides = array<i32>} : memref<120x128xi32, #tpu.memory_space<vmem>>, vector<16xi32>,
          %jit3A_1064 = arith.constant 0 : i32
          %jit3A_1065 = arith.constant 255 : i32
          %max3A_1066 = vector.broadcast %jit3A_1064 : i32 to vector<16xi32>
          %max3A_1067 = arith.maxsi %max3A_1066, %get3A_1058 : vector<16xi32>
          %min3A_1068 = vector.broadcast %jit3A_1065 : i32 to vector<16xi32>
          %min3A_1069 = arith.minsi %min3A_1068, %max3A_1067 : vector<16xi32>
          %gather3A_1070 = tpu.vector_load_idx %arg10[%min3A_1069] : memref<256xf32, #tpu.memory_space<vmem>>[vector<16xi32>], vector<16xf32>,
          %ne3A_1071 = arith.constant 255 : i32
          %ne3A_1072 = vector.broadcast %ne3A_1071 : i32 to vector<16xi32>
          %ne3A_1073 = arith.cmpi ne, %get3A_1053, %ne3A_1072 : vector<16xi32>
          %convert_element_type3A_1074 = arith.sitofp %get3A_1063 : vector<16xi32> to vector<16xf32>
          %jit3A_1075 = arith.constant 0.000000e+00 : f32
          %broadcast_in_dim3A_1076 = vector.broadcast %jit3A_1075 : f32 to vector<16xf32>
          %select_n3A_1077 = arith.select %ne3A_1073, %convert_element_type3A_1074, %broadcast_in_dim3A_1076 : vector<16xi1>, vector<16xf32>
          %mul3A_1078 = arith.mulf %select_n3A_1077, %gather3A_1070 : vector<16xf32>
          %shift_right_arithmetic3A_1079 = arith.constant 4 : i32
          %shift_right_arithmetic3A_1080 = vector.broadcast %shift_right_arithmetic3A_1079 : i32 to vector<16xi32>
          %shift_right_arithmetic3A_1081 = arith.shrsi %get3A_1053, %shift_right_arithmetic3A_1080 : vector<16xi32>
          %and3A_1082 = arith.constant 15 : i32
          %and3A_1083 = vector.broadcast %and3A_1082 : i32 to vector<16xi32>
          %and3A_1084 = arith.andi %shift_right_arithmetic3A_1081, %and3A_1083 : vector<16xi32>
          %mul3A_1085 = arith.constant 16 : i32
          %mul3A_1086 = vector.broadcast %mul3A_1085 : i32 to vector<16xi32>
          %mul3A_1087 = arith.muli %and3A_1084, %mul3A_1086 : vector<16xi32>
          %and3A_1088 = arith.constant 15 : i32
          %and3A_1089 = vector.broadcast %and3A_1088 : i32 to vector<16xi32>
          %and3A_1090 = arith.andi %get3A_1053, %and3A_1089 : vector<16xi32>
          %add3A_1091 = arith.addi %mul3A_1087, %and3A_1090 : vector<16xi32>
          %add3A_1092 = arith.constant 256 : i32
          %add3A_1093 = vector.broadcast %add3A_1092 : i32 to vector<16xi32>
          %add3A_1094 = arith.addi %add3A_1093, %min3A_1069 : vector<16xi32>
          %add3A_1095 = arith.constant 57344 : i32
          %add3A_1096 = vector.broadcast %add3A_1095 : i32 to vector<16xi32>
          %add3A_1097 = arith.addi %add3A_335, %add3A_1096 : vector<16xi32>
          %shift_right_arithmetic3A_1098 = arith.constant 7 : i32
          %shift_right_arithmetic3A_1099 = vector.broadcast %shift_right_arithmetic3A_1098 : i32 to vector<16xi32>
          %shift_right_arithmetic3A_1100 = arith.shrsi %add3A_1091, %shift_right_arithmetic3A_1099 : vector<16xi32>
          %shift_left3A_1101 = arith.constant 10 : i32
          %shift_left3A_1102 = vector.broadcast %shift_left3A_1101 : i32 to vector<16xi32>
          %shift_left3A_1103 = arith.shli %shift_right_arithmetic3A_1100, %shift_left3A_1102 : vector<16xi32>
          %add3A_1104 = arith.addi %add3A_1097, %shift_left3A_1103 : vector<16xi32>
          %and3A_1105 = arith.constant 127 : i32
          %and3A_1106 = vector.broadcast %and3A_1105 : i32 to vector<16xi32>
          %and3A_1107 = arith.andi %add3A_1091, %and3A_1106 : vector<16xi32>
          %add3A_1108 = arith.addi %add3A_1104, %and3A_1107 : vector<16xi32>
          %shift_right_arithmetic3A_1109 = arith.constant 7 : i32
          %shift_right_arithmetic3A_1110 = vector.broadcast %shift_right_arithmetic3A_1109 : i32 to vector<16xi32>
          %shift_right_arithmetic3A_1111 = arith.shrsi %add3A_1094, %shift_right_arithmetic3A_1110 : vector<16xi32>
          %shift_left3A_1112 = arith.constant 10 : i32
          %shift_left3A_1113 = vector.broadcast %shift_left3A_1112 : i32 to vector<16xi32>
          %shift_left3A_1114 = arith.shli %shift_right_arithmetic3A_1111, %shift_left3A_1113 : vector<16xi32>
          %add3A_1115 = arith.addi %add3A_1097, %shift_left3A_1114 : vector<16xi32>
          %and3A_1116 = arith.constant 127 : i32
          %and3A_1117 = vector.broadcast %and3A_1116 : i32 to vector<16xi32>
          %and3A_1118 = arith.andi %add3A_1094, %and3A_1117 : vector<16xi32>
          %add3A_1119 = arith.addi %add3A_1115, %and3A_1118 : vector<16xi32>
          tpu.vector_store_idx %arg11[%add3A_1108], %mul3A_1078 {add = true} : memref<65536xf32, #tpu.memory_space<vmem>>[vector<16xi32>], vector<16xf32>,
          tpu.vector_store_idx %arg11[%add3A_1119], %mul3A_1078 {add = true} : memref<65536xf32, #tpu.memory_space<vmem>>[vector<16xi32>], vector<16xf32>,
          %jit3A_1120 = arith.constant 1.000000e+00 : f32
          %jit3A_1121 = arith.constant 0.000000e+00 : f32
          %broadcast_in_dim3A_1122 = vector.broadcast %jit3A_1120 : f32 to vector<16xf32>
          %broadcast_in_dim3A_1123 = vector.broadcast %jit3A_1121 : f32 to vector<16xf32>
          %select_n3A_1124 = arith.select %ne3A_1073, %broadcast_in_dim3A_1122, %broadcast_in_dim3A_1123 : vector<16xi1>, vector<16xf32>
          %add3A_1125 = arith.addf %scan3A_531, %select_n3A_1124 : vector<16xf32>
          scf.yield %add3A_600, %add3A_675, %add3A_750, %add3A_825, %add3A_900, %add3A_975, %add3A_1050, %add3A_1125 : vector<16xf32>, vector<16xf32>, vector<16xf32>, vector<16xf32>, vector<16xf32>, vector<16xf32>, vector<16xf32>, vector<16xf32>
        }
        %scan3A_449 = arith.constant 40 : i32
        %mul3A_450 = arith.constant 128 : i32
        %mul3A_451 = arith.muli %scan3A_344, %mul3A_450 : i32
        %add3A_452 = arith.constant 0 : i32
        %add3A_453 = arith.addi %mul3A_451, %add3A_452 : i32
        %get3A_454 = arith.index_cast %add3A_453 : i32 to index
        %get3A_455 = tpu.vector_load %arg12[%get3A_454] {strides = array<i32>} : memref<512xf32, #tpu.memory_space<vmem>>, vector<16xf32>,
        %add3A_456 = arith.addf %get3A_455, %scan3A_448#0 : vector<16xf32>
        %swap3A_457 = arith.index_cast %add3A_453 : i32 to index
        %swap3A_458 = tpu.vector_load %arg12[%swap3A_457] {strides = array<i32>} : memref<512xf32, #tpu.memory_space<vmem>>, vector<16xf32>,
        tpu.vector_store %arg12[%swap3A_457], %add3A_456 {strides = array<i32>} : memref<512xf32, #tpu.memory_space<vmem>>, vector<16xf32>,
        %mul3A_459 = arith.constant 128 : i32
        %mul3A_460 = arith.muli %scan3A_344, %mul3A_459 : i32
        %add3A_461 = arith.constant 16 : i32
        %add3A_462 = arith.addi %mul3A_460, %add3A_461 : i32
        %get3A_463 = arith.index_cast %add3A_462 : i32 to index
        %get3A_464 = tpu.vector_load %arg12[%get3A_463] {strides = array<i32>} : memref<512xf32, #tpu.memory_space<vmem>>, vector<16xf32>,
        %add3A_465 = arith.addf %get3A_464, %scan3A_448#1 : vector<16xf32>
        %swap3A_466 = arith.index_cast %add3A_462 : i32 to index
        %swap3A_467 = tpu.vector_load %arg12[%swap3A_466] {strides = array<i32>} : memref<512xf32, #tpu.memory_space<vmem>>, vector<16xf32>,
        tpu.vector_store %arg12[%swap3A_466], %add3A_465 {strides = array<i32>} : memref<512xf32, #tpu.memory_space<vmem>>, vector<16xf32>,
        %mul3A_468 = arith.constant 128 : i32
        %mul3A_469 = arith.muli %scan3A_344, %mul3A_468 : i32
        %add3A_470 = arith.constant 32 : i32
        %add3A_471 = arith.addi %mul3A_469, %add3A_470 : i32
        %get3A_472 = arith.index_cast %add3A_471 : i32 to index
        %get3A_473 = tpu.vector_load %arg12[%get3A_472] {strides = array<i32>} : memref<512xf32, #tpu.memory_space<vmem>>, vector<16xf32>,
        %add3A_474 = arith.addf %get3A_473, %scan3A_448#2 : vector<16xf32>
        %swap3A_475 = arith.index_cast %add3A_471 : i32 to index
        %swap3A_476 = tpu.vector_load %arg12[%swap3A_475] {strides = array<i32>} : memref<512xf32, #tpu.memory_space<vmem>>, vector<16xf32>,
        tpu.vector_store %arg12[%swap3A_475], %add3A_474 {strides = array<i32>} : memref<512xf32, #tpu.memory_space<vmem>>, vector<16xf32>,
        %mul3A_477 = arith.constant 128 : i32
        %mul3A_478 = arith.muli %scan3A_344, %mul3A_477 : i32
        %add3A_479 = arith.constant 48 : i32
        %add3A_480 = arith.addi %mul3A_478, %add3A_479 : i32
        %get3A_481 = arith.index_cast %add3A_480 : i32 to index
        %get3A_482 = tpu.vector_load %arg12[%get3A_481] {strides = array<i32>} : memref<512xf32, #tpu.memory_space<vmem>>, vector<16xf32>,
        %add3A_483 = arith.addf %get3A_482, %scan3A_448#3 : vector<16xf32>
        %swap3A_484 = arith.index_cast %add3A_480 : i32 to index
        %swap3A_485 = tpu.vector_load %arg12[%swap3A_484] {strides = array<i32>} : memref<512xf32, #tpu.memory_space<vmem>>, vector<16xf32>,
        tpu.vector_store %arg12[%swap3A_484], %add3A_483 {strides = array<i32>} : memref<512xf32, #tpu.memory_space<vmem>>, vector<16xf32>,
        %mul3A_486 = arith.constant 128 : i32
        %mul3A_487 = arith.muli %scan3A_344, %mul3A_486 : i32
        %add3A_488 = arith.constant 64 : i32
        %add3A_489 = arith.addi %mul3A_487, %add3A_488 : i32
        %get3A_490 = arith.index_cast %add3A_489 : i32 to index
        %get3A_491 = tpu.vector_load %arg12[%get3A_490] {strides = array<i32>} : memref<512xf32, #tpu.memory_space<vmem>>, vector<16xf32>,
        %add3A_492 = arith.addf %get3A_491, %scan3A_448#4 : vector<16xf32>
        %swap3A_493 = arith.index_cast %add3A_489 : i32 to index
        %swap3A_494 = tpu.vector_load %arg12[%swap3A_493] {strides = array<i32>} : memref<512xf32, #tpu.memory_space<vmem>>, vector<16xf32>,
        tpu.vector_store %arg12[%swap3A_493], %add3A_492 {strides = array<i32>} : memref<512xf32, #tpu.memory_space<vmem>>, vector<16xf32>,
        %mul3A_495 = arith.constant 128 : i32
        %mul3A_496 = arith.muli %scan3A_344, %mul3A_495 : i32
        %add3A_497 = arith.constant 80 : i32
        %add3A_498 = arith.addi %mul3A_496, %add3A_497 : i32
        %get3A_499 = arith.index_cast %add3A_498 : i32 to index
        %get3A_500 = tpu.vector_load %arg12[%get3A_499] {strides = array<i32>} : memref<512xf32, #tpu.memory_space<vmem>>, vector<16xf32>,
        %add3A_501 = arith.addf %get3A_500, %scan3A_448#5 : vector<16xf32>
        %swap3A_502 = arith.index_cast %add3A_498 : i32 to index
        %swap3A_503 = tpu.vector_load %arg12[%swap3A_502] {strides = array<i32>} : memref<512xf32, #tpu.memory_space<vmem>>, vector<16xf32>,
        tpu.vector_store %arg12[%swap3A_502], %add3A_501 {strides = array<i32>} : memref<512xf32, #tpu.memory_space<vmem>>, vector<16xf32>,
        %mul3A_504 = arith.constant 128 : i32
        %mul3A_505 = arith.muli %scan3A_344, %mul3A_504 : i32
        %add3A_506 = arith.constant 96 : i32
        %add3A_507 = arith.addi %mul3A_505, %add3A_506 : i32
        %get3A_508 = arith.index_cast %add3A_507 : i32 to index
        %get3A_509 = tpu.vector_load %arg12[%get3A_508] {strides = array<i32>} : memref<512xf32, #tpu.memory_space<vmem>>, vector<16xf32>,
        %add3A_510 = arith.addf %get3A_509, %scan3A_448#6 : vector<16xf32>
        %swap3A_511 = arith.index_cast %add3A_507 : i32 to index
        %swap3A_512 = tpu.vector_load %arg12[%swap3A_511] {strides = array<i32>} : memref<512xf32, #tpu.memory_space<vmem>>, vector<16xf32>,
        tpu.vector_store %arg12[%swap3A_511], %add3A_510 {strides = array<i32>} : memref<512xf32, #tpu.memory_space<vmem>>, vector<16xf32>,
        %mul3A_513 = arith.constant 128 : i32
        %mul3A_514 = arith.muli %scan3A_344, %mul3A_513 : i32
        %add3A_515 = arith.constant 112 : i32
        %add3A_516 = arith.addi %mul3A_514, %add3A_515 : i32
        %get3A_517 = arith.index_cast %add3A_516 : i32 to index
        %get3A_518 = tpu.vector_load %arg12[%get3A_517] {strides = array<i32>} : memref<512xf32, #tpu.memory_space<vmem>>, vector<16xf32>,
        %add3A_519 = arith.addf %get3A_518, %scan3A_448#7 : vector<16xf32>
        %swap3A_520 = arith.index_cast %add3A_516 : i32 to index
        %swap3A_521 = tpu.vector_load %arg12[%swap3A_520] {strides = array<i32>} : memref<512xf32, #tpu.memory_space<vmem>>, vector<16xf32>,
        tpu.vector_store %arg12[%swap3A_520], %add3A_519 {strides = array<i32>} : memref<512xf32, #tpu.memory_space<vmem>>, vector<16xf32>,
        %scan3A_522 = arith.constant 0 : i32
        scf.yield %scan3A_522 : i32
      }
      %scan3A_362 = arith.constant 5 : i32
      %mul3A_363 = arith.constant 128 : i32
      %mul3A_364 = arith.muli %scan3A_344, %mul3A_363 : i32
      %add3A_365 = arith.addi %mul3A_337, %mul3A_364 : i32
      %mul3A_366 = arith.constant 512 : i32
      %mul3A_367 = arith.muli %add3A_365, %mul3A_366 : i32
      %dma_start3A = tpu.memref_slice %arg6[%mul3A_367] : memref<8388608xf32, #tpu.memory_space<hbm>> -> memref<65536xf32, #tpu.memory_space<hbm>>
      %dma_start3A_368 = tpu.memref_slice %arg6[%mul3A_367] : memref<8388608xf32, #tpu.memory_space<hbm>> -> memref<65536xf32, #tpu.memory_space<hbm>>
      tpu.enqueue_dma source(%arg11 : memref<65536xf32, #tpu.memory_space<vmem>>) target(%dma_start3A_368 : memref<65536xf32, #tpu.memory_space<hbm>>) target_semaphore(%arg13 : memref<!tpu.dma_semaphore, #tpu.memory_space<semaphore_mem>>)
      %mul3A_369 = arith.constant 128 : i32
      %mul3A_370 = arith.muli %scan3A_344, %mul3A_369 : i32
      %add3A_371 = arith.addi %mul3A_337, %mul3A_370 : i32
      %mul3A_372 = arith.constant 512 : i32
      %mul3A_373 = arith.muli %add3A_371, %mul3A_372 : i32
      %dma_wait3A = tpu.memref_slice %arg6[%mul3A_373] : memref<8388608xf32, #tpu.memory_space<hbm>> -> memref<65536xf32, #tpu.memory_space<hbm>>
      %dma_wait3A_374 = tpu.memref_slice %arg6[%mul3A_373] : memref<8388608xf32, #tpu.memory_space<hbm>> -> memref<65536xf32, #tpu.memory_space<hbm>>
      tpu.wait_dma2 semaphore(%arg13 : memref<!tpu.dma_semaphore, #tpu.memory_space<semaphore_mem>>) src(%arg11 : memref<65536xf32, #tpu.memory_space<vmem>>) dst(%dma_wait3A_374 : memref<65536xf32, #tpu.memory_space<hbm>>)
      %scan3A_375 = arith.constant 0 : i32
      scf.yield %scan3A_375 : i32
    }
    %scan3A_343 = arith.constant 4 : i32
    "tpu.region"() ({
      %run_scoped3A = tpu.sem_alloc : memref<!tpu.dma_semaphore, #tpu.memory_space<semaphore_mem>>
      %dma_start3A = tpu.memref_slice %arg7[%mul3A_337] : memref<16384xf32, #tpu.memory_space<hbm>> -> memref<512xf32, #tpu.memory_space<hbm>>
      %dma_start3A_344 = tpu.memref_slice %arg7[%mul3A_337] : memref<16384xf32, #tpu.memory_space<hbm>> -> memref<512xf32, #tpu.memory_space<hbm>>
      tpu.enqueue_dma source(%arg12 : memref<512xf32, #tpu.memory_space<vmem>>) target(%dma_start3A_344 : memref<512xf32, #tpu.memory_space<hbm>>) target_semaphore(%run_scoped3A : memref<!tpu.dma_semaphore, #tpu.memory_space<semaphore_mem>>)
      %dma_wait3A = tpu.memref_slice %arg7[%mul3A_337] : memref<16384xf32, #tpu.memory_space<hbm>> -> memref<512xf32, #tpu.memory_space<hbm>>
      %dma_wait3A_345 = tpu.memref_slice %arg7[%mul3A_337] : memref<16384xf32, #tpu.memory_space<hbm>> -> memref<512xf32, #tpu.memory_space<hbm>>
      tpu.wait_dma2 semaphore(%run_scoped3A : memref<!tpu.dma_semaphore, #tpu.memory_space<semaphore_mem>>) src(%arg12 : memref<512xf32, #tpu.memory_space<vmem>>) dst(%dma_wait3A_345 : memref<512xf32, #tpu.memory_space<hbm>>)
      tpu.yield
    }) : () -> ()
    return
  }
}

module attributes {stable_mosaic.version = 14 : i64} {
  func.func @_mlp_kernel(%arg0: i32, %arg1: memref<128x8x128xf32, #tpu.memory_space<vmem>>, %arg2: memref<128x8x128xf32, #tpu.memory_space<vmem>>, %arg3: memref<128x8x128xf32, #tpu.memory_space<vmem>>, %arg4: memref<128x8x128xf32, #tpu.memory_space<vmem>>, %arg5: memref<1024x1xf32, #tpu.memory_space<vmem>>, %arg6: memref<512x192xbf16, #tpu.memory_space<vmem>>, %arg7: memref<512x192xbf16, #tpu.memory_space<vmem>>, %arg8: memref<192x192xf32, #tpu.memory_space<vmem>>, %arg9: memref<1x192xf32, #tpu.memory_space<vmem>>, %arg10: memref<1x192xf32, #tpu.memory_space<vmem>>, %arg11: memref<1x192xf32, #tpu.memory_space<vmem>>, %arg12: memref<192x192xf32, #tpu.memory_space<vmem>>, %arg13: memref<1x192xf32, #tpu.memory_space<vmem>>, %arg14: memref<192x192xf32, #tpu.memory_space<vmem>>, %arg15: memref<1x192xf32, #tpu.memory_space<vmem>>, %arg16: memref<192x19xf32, #tpu.memory_space<vmem>>, %arg17: memref<1x19xf32, #tpu.memory_space<vmem>>, %arg18: memref<192x1xf32, #tpu.memory_space<vmem>>, %arg19: memref<1x1xf32, #tpu.memory_space<vmem>>, %arg20: memref<1024x20xf32, #tpu.memory_space<vmem>>) attributes {dimension_semantics = [#tpu.dimension_semantics<arbitrary>], iteration_bounds = array<i64: 16>, scalar_prefetch = 0 : i64, scratch_operands = 0 : i64, tpu.core_type = #tpu.core_type<tc>, window_params = [{transform_indices = @transform_0, window_bounds = array<i64: 128, 8, 128>}, {transform_indices = @transform_1, window_bounds = array<i64: 128, 8, 128>}, {transform_indices = @transform_2, window_bounds = array<i64: 128, 8, 128>}, {transform_indices = @transform_3, window_bounds = array<i64: 128, 8, 128>}, {transform_indices = @transform_4, window_bounds = array<i64: 1024, 1>}, {pipeline_mode = #tpu.pipeline_mode<synchronous>, transform_indices = @transform_5, window_bounds = array<i64: 512, 192>}, {pipeline_mode = #tpu.pipeline_mode<synchronous>, transform_indices = @transform_6, window_bounds = array<i64: 512, 192>}, {pipeline_mode = #tpu.pipeline_mode<synchronous>, transform_indices = @transform_7, window_bounds = array<i64: 192, 192>}, {pipeline_mode = #tpu.pipeline_mode<synchronous>, transform_indices = @transform_8, window_bounds = array<i64: 1, 192>}, {pipeline_mode = #tpu.pipeline_mode<synchronous>, transform_indices = @transform_9, window_bounds = array<i64: 1, 192>}, {pipeline_mode = #tpu.pipeline_mode<synchronous>, transform_indices = @transform_10, window_bounds = array<i64: 1, 192>}, {pipeline_mode = #tpu.pipeline_mode<synchronous>, transform_indices = @transform_11, window_bounds = array<i64: 192, 192>}, {pipeline_mode = #tpu.pipeline_mode<synchronous>, transform_indices = @transform_12, window_bounds = array<i64: 1, 192>}, {pipeline_mode = #tpu.pipeline_mode<synchronous>, transform_indices = @transform_13, window_bounds = array<i64: 192, 192>}, {pipeline_mode = #tpu.pipeline_mode<synchronous>, transform_indices = @transform_14, window_bounds = array<i64: 1, 192>}, {pipeline_mode = #tpu.pipeline_mode<synchronous>, transform_indices = @transform_15, window_bounds = array<i64: 192, 19>}, {pipeline_mode = #tpu.pipeline_mode<synchronous>, transform_indices = @transform_16, window_bounds = array<i64: 1, 19>}, {pipeline_mode = #tpu.pipeline_mode<synchronous>, transform_indices = @transform_17, window_bounds = array<i64: 192, 1>}, {pipeline_mode = #tpu.pipeline_mode<synchronous>, transform_indices = @transform_18, window_bounds = array<i64: 1, 1>}, {transform_indices = @transform_19, window_bounds = array<i64: 1024, 20>}]} {
    %get3A = arith.constant 0 : index
    %get3A_0 = arith.constant 0 : index
    %get3A_1 = vector.load %arg5[%get3A, %get3A_0] : memref<1024x1xf32, #tpu.memory_space<vmem>>, vector<1024x1xf32>
    %max3A = arith.constant 1.000000e+00 : f32
    %max3A_2 = vector.broadcast %max3A : f32 to vector<1024x1xf32>
    %max3A_3 = arith.maximumf %get3A_1, %max3A_2 : vector<1024x1xf32>
    %get3A_4 = arith.constant 0 : index
    %get3A_5 = arith.constant 0 : index
    %get3A_6 = arith.constant 0 : index
    %get3A_7 = vector.load %arg1[%get3A_4, %get3A_5, %get3A_6] : memref<128x8x128xf32, #tpu.memory_space<vmem>>, vector<128x8x128xf32>
    %reshape3A = vector.shape_cast %get3A_7 : vector<128x8x128xf32> to vector<1024x128xf32>
    %get3A_8 = arith.constant 0 : index
    %get3A_9 = arith.constant 0 : index
    %get3A_10 = vector.load %arg6[%get3A_8, %get3A_9] : memref<512x192xbf16, #tpu.memory_space<vmem>>, vector<128x192xbf16>
    %get3A_11 = arith.constant 0 : index
    %get3A_12 = arith.constant 0 : index
    %get3A_13 = vector.load %arg7[%get3A_11, %get3A_12] : memref<512x192xbf16, #tpu.memory_space<vmem>>, vector<128x192xbf16>
    %convert_element_type3A = arith.truncf %reshape3A : vector<1024x128xf32> to vector<1024x128xbf16>
    %convert_element_type3A_14 = arith.extf %convert_element_type3A : vector<1024x128xbf16> to vector<1024x128xf32>
    %sub3A = arith.subf %reshape3A, %convert_element_type3A_14 : vector<1024x128xf32>
    %convert_element_type3A_15 = arith.truncf %sub3A : vector<1024x128xf32> to vector<1024x128xbf16>
    %dot_general3A = arith.constant dense<0.000000e+00> : vector<1024x192xf32>
    %dot_general3A_16 = tpu.matmul %convert_element_type3A, %get3A_10, %dot_general3A {dimension_numbers = #tpu.dot_dimension_numbers<[1], [0], [0], [1], [0, 0, 1, 1], [], []>, transpose_lhs_hint = false} : vector<1024x128xbf16>, vector<128x192xbf16>, vector<1024x192xf32> -> vector<1024x192xf32>
    %dot_general3A_17 = arith.constant dense<0.000000e+00> : vector<1024x192xf32>
    %dot_general3A_18 = tpu.matmul %convert_element_type3A, %get3A_13, %dot_general3A_17 {dimension_numbers = #tpu.dot_dimension_numbers<[1], [0], [0], [1], [0, 0, 1, 1], [], []>, transpose_lhs_hint = false} : vector<1024x128xbf16>, vector<128x192xbf16>, vector<1024x192xf32> -> vector<1024x192xf32>
    %add3A = arith.addf %dot_general3A_16, %dot_general3A_18 : vector<1024x192xf32>
    %dot_general3A_19 = arith.constant dense<0.000000e+00> : vector<1024x192xf32>
    %dot_general3A_20 = tpu.matmul %convert_element_type3A_15, %get3A_10, %dot_general3A_19 {dimension_numbers = #tpu.dot_dimension_numbers<[1], [0], [0], [1], [0, 0, 1, 1], [], []>, transpose_lhs_hint = false} : vector<1024x128xbf16>, vector<128x192xbf16>, vector<1024x192xf32> -> vector<1024x192xf32>
    %add3A_21 = arith.addf %add3A, %dot_general3A_20 : vector<1024x192xf32>
    %get3A_22 = arith.constant 0 : index
    %get3A_23 = arith.constant 0 : index
    %get3A_24 = arith.constant 0 : index
    %get3A_25 = vector.load %arg2[%get3A_22, %get3A_23, %get3A_24] : memref<128x8x128xf32, #tpu.memory_space<vmem>>, vector<128x8x128xf32>
    %reshape3A_26 = vector.shape_cast %get3A_25 : vector<128x8x128xf32> to vector<1024x128xf32>
    %get3A_27 = arith.constant 128 : index
    %get3A_28 = arith.constant 0 : index
    %get3A_29 = vector.load %arg6[%get3A_27, %get3A_28] : memref<512x192xbf16, #tpu.memory_space<vmem>>, vector<128x192xbf16>
    %get3A_30 = arith.constant 128 : index
    %get3A_31 = arith.constant 0 : index
    %get3A_32 = vector.load %arg7[%get3A_30, %get3A_31] : memref<512x192xbf16, #tpu.memory_space<vmem>>, vector<128x192xbf16>
    %convert_element_type3A_33 = arith.truncf %reshape3A_26 : vector<1024x128xf32> to vector<1024x128xbf16>
    %convert_element_type3A_34 = arith.extf %convert_element_type3A_33 : vector<1024x128xbf16> to vector<1024x128xf32>
    %sub3A_35 = arith.subf %reshape3A_26, %convert_element_type3A_34 : vector<1024x128xf32>
    %convert_element_type3A_36 = arith.truncf %sub3A_35 : vector<1024x128xf32> to vector<1024x128xbf16>
    %dot_general3A_37 = arith.constant dense<0.000000e+00> : vector<1024x192xf32>
    %dot_general3A_38 = tpu.matmul %convert_element_type3A_33, %get3A_29, %dot_general3A_37 {dimension_numbers = #tpu.dot_dimension_numbers<[1], [0], [0], [1], [0, 0, 1, 1], [], []>, transpose_lhs_hint = false} : vector<1024x128xbf16>, vector<128x192xbf16>, vector<1024x192xf32> -> vector<1024x192xf32>
    %dot_general3A_39 = arith.constant dense<0.000000e+00> : vector<1024x192xf32>
    %dot_general3A_40 = tpu.matmul %convert_element_type3A_33, %get3A_32, %dot_general3A_39 {dimension_numbers = #tpu.dot_dimension_numbers<[1], [0], [0], [1], [0, 0, 1, 1], [], []>, transpose_lhs_hint = false} : vector<1024x128xbf16>, vector<128x192xbf16>, vector<1024x192xf32> -> vector<1024x192xf32>
    %add3A_41 = arith.addf %dot_general3A_38, %dot_general3A_40 : vector<1024x192xf32>
    %dot_general3A_42 = arith.constant dense<0.000000e+00> : vector<1024x192xf32>
    %dot_general3A_43 = tpu.matmul %convert_element_type3A_36, %get3A_29, %dot_general3A_42 {dimension_numbers = #tpu.dot_dimension_numbers<[1], [0], [0], [1], [0, 0, 1, 1], [], []>, transpose_lhs_hint = false} : vector<1024x128xbf16>, vector<128x192xbf16>, vector<1024x192xf32> -> vector<1024x192xf32>
    %add3A_44 = arith.addf %add3A_41, %dot_general3A_43 : vector<1024x192xf32>
    %add3A_45 = arith.addf %add3A_21, %add3A_44 : vector<1024x192xf32>
    %get3A_46 = arith.constant 0 : index
    %get3A_47 = arith.constant 0 : index
    %get3A_48 = arith.constant 0 : index
    %get3A_49 = vector.load %arg3[%get3A_46, %get3A_47, %get3A_48] : memref<128x8x128xf32, #tpu.memory_space<vmem>>, vector<128x8x128xf32>
    %reshape3A_50 = vector.shape_cast %get3A_49 : vector<128x8x128xf32> to vector<1024x128xf32>
    %get3A_51 = arith.constant 256 : index
    %get3A_52 = arith.constant 0 : index
    %get3A_53 = vector.load %arg6[%get3A_51, %get3A_52] : memref<512x192xbf16, #tpu.memory_space<vmem>>, vector<128x192xbf16>
    %get3A_54 = arith.constant 256 : index
    %get3A_55 = arith.constant 0 : index
    %get3A_56 = vector.load %arg7[%get3A_54, %get3A_55] : memref<512x192xbf16, #tpu.memory_space<vmem>>, vector<128x192xbf16>
    %convert_element_type3A_57 = arith.truncf %reshape3A_50 : vector<1024x128xf32> to vector<1024x128xbf16>
    %convert_element_type3A_58 = arith.extf %convert_element_type3A_57 : vector<1024x128xbf16> to vector<1024x128xf32>
    %sub3A_59 = arith.subf %reshape3A_50, %convert_element_type3A_58 : vector<1024x128xf32>
    %convert_element_type3A_60 = arith.truncf %sub3A_59 : vector<1024x128xf32> to vector<1024x128xbf16>
    %dot_general3A_61 = arith.constant dense<0.000000e+00> : vector<1024x192xf32>
    %dot_general3A_62 = tpu.matmul %convert_element_type3A_57, %get3A_53, %dot_general3A_61 {dimension_numbers = #tpu.dot_dimension_numbers<[1], [0], [0], [1], [0, 0, 1, 1], [], []>, transpose_lhs_hint = false} : vector<1024x128xbf16>, vector<128x192xbf16>, vector<1024x192xf32> -> vector<1024x192xf32>
    %dot_general3A_63 = arith.constant dense<0.000000e+00> : vector<1024x192xf32>
    %dot_general3A_64 = tpu.matmul %convert_element_type3A_57, %get3A_56, %dot_general3A_63 {dimension_numbers = #tpu.dot_dimension_numbers<[1], [0], [0], [1], [0, 0, 1, 1], [], []>, transpose_lhs_hint = false} : vector<1024x128xbf16>, vector<128x192xbf16>, vector<1024x192xf32> -> vector<1024x192xf32>
    %add3A_65 = arith.addf %dot_general3A_62, %dot_general3A_64 : vector<1024x192xf32>
    %dot_general3A_66 = arith.constant dense<0.000000e+00> : vector<1024x192xf32>
    %dot_general3A_67 = tpu.matmul %convert_element_type3A_60, %get3A_53, %dot_general3A_66 {dimension_numbers = #tpu.dot_dimension_numbers<[1], [0], [0], [1], [0, 0, 1, 1], [], []>, transpose_lhs_hint = false} : vector<1024x128xbf16>, vector<128x192xbf16>, vector<1024x192xf32> -> vector<1024x192xf32>
    %add3A_68 = arith.addf %add3A_65, %dot_general3A_67 : vector<1024x192xf32>
    %add3A_69 = arith.addf %add3A_45, %add3A_68 : vector<1024x192xf32>
    %get3A_70 = arith.constant 0 : index
    %get3A_71 = arith.constant 0 : index
    %get3A_72 = arith.constant 0 : index
    %get3A_73 = vector.load %arg4[%get3A_70, %get3A_71, %get3A_72] : memref<128x8x128xf32, #tpu.memory_space<vmem>>, vector<128x8x128xf32>
    %reshape3A_74 = vector.shape_cast %get3A_73 : vector<128x8x128xf32> to vector<1024x128xf32>
    %get3A_75 = arith.constant 384 : index
    %get3A_76 = arith.constant 0 : index
    %get3A_77 = vector.load %arg6[%get3A_75, %get3A_76] : memref<512x192xbf16, #tpu.memory_space<vmem>>, vector<128x192xbf16>
    %get3A_78 = arith.constant 384 : index
    %get3A_79 = arith.constant 0 : index
    %get3A_80 = vector.load %arg7[%get3A_78, %get3A_79] : memref<512x192xbf16, #tpu.memory_space<vmem>>, vector<128x192xbf16>
    %convert_element_type3A_81 = arith.truncf %reshape3A_74 : vector<1024x128xf32> to vector<1024x128xbf16>
    %convert_element_type3A_82 = arith.extf %convert_element_type3A_81 : vector<1024x128xbf16> to vector<1024x128xf32>
    %sub3A_83 = arith.subf %reshape3A_74, %convert_element_type3A_82 : vector<1024x128xf32>
    %convert_element_type3A_84 = arith.truncf %sub3A_83 : vector<1024x128xf32> to vector<1024x128xbf16>
    %dot_general3A_85 = arith.constant dense<0.000000e+00> : vector<1024x192xf32>
    %dot_general3A_86 = tpu.matmul %convert_element_type3A_81, %get3A_77, %dot_general3A_85 {dimension_numbers = #tpu.dot_dimension_numbers<[1], [0], [0], [1], [0, 0, 1, 1], [], []>, transpose_lhs_hint = false} : vector<1024x128xbf16>, vector<128x192xbf16>, vector<1024x192xf32> -> vector<1024x192xf32>
    %dot_general3A_87 = arith.constant dense<0.000000e+00> : vector<1024x192xf32>
    %dot_general3A_88 = tpu.matmul %convert_element_type3A_81, %get3A_80, %dot_general3A_87 {dimension_numbers = #tpu.dot_dimension_numbers<[1], [0], [0], [1], [0, 0, 1, 1], [], []>, transpose_lhs_hint = false} : vector<1024x128xbf16>, vector<128x192xbf16>, vector<1024x192xf32> -> vector<1024x192xf32>
    %add3A_89 = arith.addf %dot_general3A_86, %dot_general3A_88 : vector<1024x192xf32>
    %dot_general3A_90 = arith.constant dense<0.000000e+00> : vector<1024x192xf32>
    %dot_general3A_91 = tpu.matmul %convert_element_type3A_84, %get3A_77, %dot_general3A_90 {dimension_numbers = #tpu.dot_dimension_numbers<[1], [0], [0], [1], [0, 0, 1, 1], [], []>, transpose_lhs_hint = false} : vector<1024x128xbf16>, vector<128x192xbf16>, vector<1024x192xf32> -> vector<1024x192xf32>
    %add3A_92 = arith.addf %add3A_89, %dot_general3A_91 : vector<1024x192xf32>
    %add3A_93 = arith.addf %add3A_69, %add3A_92 : vector<1024x192xf32>
    %sqrt3A = math.sqrt %max3A_3 : vector<1024x1xf32>
    %div3A = vector.broadcast %sqrt3A : vector<1024x1xf32> to vector<1024x192xf32>
    %div3A_94 = arith.divf %add3A_93, %div3A : vector<1024x192xf32>
    %get3A_95 = arith.constant 0 : index
    %get3A_96 = arith.constant 0 : index
    %get3A_97 = vector.load %arg8[%get3A_95, %get3A_96] : memref<192x192xf32, #tpu.memory_space<vmem>>, vector<192x192xf32>
    %convert_element_type3A_98 = arith.truncf %div3A_94 : vector<1024x192xf32> to vector<1024x192xbf16>
    %convert_element_type3A_99 = arith.extf %convert_element_type3A_98 : vector<1024x192xbf16> to vector<1024x192xf32>
    %sub3A_100 = arith.subf %div3A_94, %convert_element_type3A_99 : vector<1024x192xf32>
    %convert_element_type3A_101 = arith.truncf %sub3A_100 : vector<1024x192xf32> to vector<1024x192xbf16>
    %convert_element_type3A_102 = arith.truncf %get3A_97 : vector<192x192xf32> to vector<192x192xbf16>
    %dot_general3A_103 = arith.constant dense<0.000000e+00> : vector<1024x192xf32>
    %dot_general3A_104 = tpu.matmul %convert_element_type3A_98, %convert_element_type3A_102, %dot_general3A_103 {dimension_numbers = #tpu.dot_dimension_numbers<[1], [0], [0], [1], [0, 0, 1, 1], [], []>, transpose_lhs_hint = false} : vector<1024x192xbf16>, vector<192x192xbf16>, vector<1024x192xf32> -> vector<1024x192xf32>
    %dot_general3A_105 = arith.constant dense<0.000000e+00> : vector<1024x192xf32>
    %dot_general3A_106 = tpu.matmul %convert_element_type3A_101, %convert_element_type3A_102, %dot_general3A_105 {dimension_numbers = #tpu.dot_dimension_numbers<[1], [0], [0], [1], [0, 0, 1, 1], [], []>, transpose_lhs_hint = false} : vector<1024x192xbf16>, vector<192x192xbf16>, vector<1024x192xf32> -> vector<1024x192xf32>
    %add3A_107 = arith.addf %dot_general3A_104, %dot_general3A_106 : vector<1024x192xf32>
    %get3A_108 = arith.constant 0 : index
    %get3A_109 = arith.constant 0 : index
    %get3A_110 = vector.load %arg9[%get3A_108, %get3A_109] : memref<1x192xf32, #tpu.memory_space<vmem>>, vector<1x192xf32>
    %add3A_111 = vector.broadcast %get3A_110 : vector<1x192xf32> to vector<1024x192xf32>
    %add3A_112 = arith.addf %add3A_107, %add3A_111 : vector<1024x192xf32>
    %max3A_113 = arith.constant 0.000000e+00 : f32
    %max3A_114 = vector.broadcast %max3A_113 : f32 to vector<1024x192xf32>
    %max3A_115 = arith.maximumf %add3A_112, %max3A_114 : vector<1024x192xf32>
    %reduce_sum3A = arith.constant dense<0.000000e+00> : vector<1024xf32>
    %reduce_sum3A_116 = vector.multi_reduction <add>, %max3A_115, %reduce_sum3A [1] : vector<1024x192xf32> to vector<1024xf32>
    %broadcast_in_dim3A = vector.shape_cast %reduce_sum3A_116 : vector<1024xf32> to vector<1024x1xf32>
    %div3A_117 = arith.constant 1.920000e+02 : f32
    %div3A_118 = vector.broadcast %div3A_117 : f32 to vector<1024x1xf32>
    %div3A_119 = arith.divf %broadcast_in_dim3A, %div3A_118 : vector<1024x1xf32>
    %sub3A_120 = vector.broadcast %div3A_119 : vector<1024x1xf32> to vector<1024x192xf32>
    %sub3A_121 = arith.subf %max3A_115, %sub3A_120 : vector<1024x192xf32>
    %integer_pow3A = arith.mulf %sub3A_121, %sub3A_121 : vector<1024x192xf32>
    %reduce_sum3A_122 = arith.constant dense<0.000000e+00> : vector<1024xf32>
    %reduce_sum3A_123 = vector.multi_reduction <add>, %integer_pow3A, %reduce_sum3A_122 [1] : vector<1024x192xf32> to vector<1024xf32>
    %broadcast_in_dim3A_124 = vector.shape_cast %reduce_sum3A_123 : vector<1024xf32> to vector<1024x1xf32>
    %div3A_125 = arith.constant 1.920000e+02 : f32
    %div3A_126 = vector.broadcast %div3A_125 : f32 to vector<1024x1xf32>
    %div3A_127 = arith.divf %broadcast_in_dim3A_124, %div3A_126 : vector<1024x1xf32>
    %sub3A_128 = vector.broadcast %div3A_119 : vector<1024x1xf32> to vector<1024x192xf32>
    %sub3A_129 = arith.subf %max3A_115, %sub3A_128 : vector<1024x192xf32>
    %add3A_130 = arith.constant 9.99999974E-6 : f32
    %add3A_131 = vector.broadcast %add3A_130 : f32 to vector<1024x1xf32>
    %add3A_132 = arith.addf %div3A_127, %add3A_131 : vector<1024x1xf32>
    %sqrt3A_133 = math.sqrt %add3A_132 : vector<1024x1xf32>
    %div3A_134 = vector.broadcast %sqrt3A_133 : vector<1024x1xf32> to vector<1024x192xf32>
    %div3A_135 = arith.divf %sub3A_129, %div3A_134 : vector<1024x192xf32>
    %get3A_136 = arith.constant 0 : index
    %get3A_137 = arith.constant 0 : index
    %get3A_138 = vector.load %arg10[%get3A_136, %get3A_137] : memref<1x192xf32, #tpu.memory_space<vmem>>, vector<1x192xf32>
    %mul3A = vector.broadcast %get3A_138 : vector<1x192xf32> to vector<1024x192xf32>
    %mul3A_139 = arith.mulf %div3A_135, %mul3A : vector<1024x192xf32>
    %get3A_140 = arith.constant 0 : index
    %get3A_141 = arith.constant 0 : index
    %get3A_142 = vector.load %arg11[%get3A_140, %get3A_141] : memref<1x192xf32, #tpu.memory_space<vmem>>, vector<1x192xf32>
    %add3A_143 = vector.broadcast %get3A_142 : vector<1x192xf32> to vector<1024x192xf32>
    %add3A_144 = arith.addf %mul3A_139, %add3A_143 : vector<1024x192xf32>
    %get3A_145 = arith.constant 0 : index
    %get3A_146 = arith.constant 0 : index
    %get3A_147 = vector.load %arg12[%get3A_145, %get3A_146] : memref<192x192xf32, #tpu.memory_space<vmem>>, vector<192x192xf32>
    %convert_element_type3A_148 = arith.truncf %add3A_144 : vector<1024x192xf32> to vector<1024x192xbf16>
    %convert_element_type3A_149 = arith.extf %convert_element_type3A_148 : vector<1024x192xbf16> to vector<1024x192xf32>
    %sub3A_150 = arith.subf %add3A_144, %convert_element_type3A_149 : vector<1024x192xf32>
    %convert_element_type3A_151 = arith.truncf %sub3A_150 : vector<1024x192xf32> to vector<1024x192xbf16>
    %convert_element_type3A_152 = arith.truncf %get3A_147 : vector<192x192xf32> to vector<192x192xbf16>
    %dot_general3A_153 = arith.constant dense<0.000000e+00> : vector<1024x192xf32>
    %dot_general3A_154 = tpu.matmul %convert_element_type3A_148, %convert_element_type3A_152, %dot_general3A_153 {dimension_numbers = #tpu.dot_dimension_numbers<[1], [0], [0], [1], [0, 0, 1, 1], [], []>, transpose_lhs_hint = false} : vector<1024x192xbf16>, vector<192x192xbf16>, vector<1024x192xf32> -> vector<1024x192xf32>
    %dot_general3A_155 = arith.constant dense<0.000000e+00> : vector<1024x192xf32>
    %dot_general3A_156 = tpu.matmul %convert_element_type3A_151, %convert_element_type3A_152, %dot_general3A_155 {dimension_numbers = #tpu.dot_dimension_numbers<[1], [0], [0], [1], [0, 0, 1, 1], [], []>, transpose_lhs_hint = false} : vector<1024x192xbf16>, vector<192x192xbf16>, vector<1024x192xf32> -> vector<1024x192xf32>
    %add3A_157 = arith.addf %dot_general3A_154, %dot_general3A_156 : vector<1024x192xf32>
    %get3A_158 = arith.constant 0 : index
    %get3A_159 = arith.constant 0 : index
    %get3A_160 = vector.load %arg13[%get3A_158, %get3A_159] : memref<1x192xf32, #tpu.memory_space<vmem>>, vector<1x192xf32>
    %add3A_161 = vector.broadcast %get3A_160 : vector<1x192xf32> to vector<1024x192xf32>
    %add3A_162 = arith.addf %add3A_157, %add3A_161 : vector<1024x192xf32>
    %max3A_163 = arith.constant 0.000000e+00 : f32
    %max3A_164 = vector.broadcast %max3A_163 : f32 to vector<1024x192xf32>
    %max3A_165 = arith.maximumf %add3A_162, %max3A_164 : vector<1024x192xf32>
    %get3A_166 = arith.constant 0 : index
    %get3A_167 = arith.constant 0 : index
    %get3A_168 = vector.load %arg14[%get3A_166, %get3A_167] : memref<192x192xf32, #tpu.memory_space<vmem>>, vector<192x192xf32>
    %convert_element_type3A_169 = arith.truncf %max3A_165 : vector<1024x192xf32> to vector<1024x192xbf16>
    %convert_element_type3A_170 = arith.extf %convert_element_type3A_169 : vector<1024x192xbf16> to vector<1024x192xf32>
    %sub3A_171 = arith.subf %max3A_165, %convert_element_type3A_170 : vector<1024x192xf32>
    %convert_element_type3A_172 = arith.truncf %sub3A_171 : vector<1024x192xf32> to vector<1024x192xbf16>
    %convert_element_type3A_173 = arith.truncf %get3A_168 : vector<192x192xf32> to vector<192x192xbf16>
    %dot_general3A_174 = arith.constant dense<0.000000e+00> : vector<1024x192xf32>
    %dot_general3A_175 = tpu.matmul %convert_element_type3A_169, %convert_element_type3A_173, %dot_general3A_174 {dimension_numbers = #tpu.dot_dimension_numbers<[1], [0], [0], [1], [0, 0, 1, 1], [], []>, transpose_lhs_hint = false} : vector<1024x192xbf16>, vector<192x192xbf16>, vector<1024x192xf32> -> vector<1024x192xf32>
    %dot_general3A_176 = arith.constant dense<0.000000e+00> : vector<1024x192xf32>
    %dot_general3A_177 = tpu.matmul %convert_element_type3A_172, %convert_element_type3A_173, %dot_general3A_176 {dimension_numbers = #tpu.dot_dimension_numbers<[1], [0], [0], [1], [0, 0, 1, 1], [], []>, transpose_lhs_hint = false} : vector<1024x192xbf16>, vector<192x192xbf16>, vector<1024x192xf32> -> vector<1024x192xf32>
    %add3A_178 = arith.addf %dot_general3A_175, %dot_general3A_177 : vector<1024x192xf32>
    %get3A_179 = arith.constant 0 : index
    %get3A_180 = arith.constant 0 : index
    %get3A_181 = vector.load %arg15[%get3A_179, %get3A_180] : memref<1x192xf32, #tpu.memory_space<vmem>>, vector<1x192xf32>
    %add3A_182 = vector.broadcast %get3A_181 : vector<1x192xf32> to vector<1024x192xf32>
    %add3A_183 = arith.addf %add3A_178, %add3A_182 : vector<1024x192xf32>
    %max3A_184 = arith.constant 0.000000e+00 : f32
    %max3A_185 = vector.broadcast %max3A_184 : f32 to vector<1024x192xf32>
    %max3A_186 = arith.maximumf %add3A_183, %max3A_185 : vector<1024x192xf32>
    %get3A_187 = arith.constant 0 : index
    %get3A_188 = arith.constant 0 : index
    %get3A_189 = vector.load %arg16[%get3A_187, %get3A_188] : memref<192x19xf32, #tpu.memory_space<vmem>>, vector<192x19xf32>
    %convert_element_type3A_190 = arith.truncf %max3A_186 : vector<1024x192xf32> to vector<1024x192xbf16>
    %convert_element_type3A_191 = arith.extf %convert_element_type3A_190 : vector<1024x192xbf16> to vector<1024x192xf32>
    %sub3A_192 = arith.subf %max3A_186, %convert_element_type3A_191 : vector<1024x192xf32>
    %convert_element_type3A_193 = arith.truncf %sub3A_192 : vector<1024x192xf32> to vector<1024x192xbf16>
    %convert_element_type3A_194 = arith.truncf %get3A_189 : vector<192x19xf32> to vector<192x19xbf16>
    %dot_general3A_195 = arith.constant dense<0.000000e+00> : vector<1024x19xf32>
    %dot_general3A_196 = tpu.matmul %convert_element_type3A_190, %convert_element_type3A_194, %dot_general3A_195 {dimension_numbers = #tpu.dot_dimension_numbers<[1], [0], [0], [1], [0, 0, 1, 1], [], []>, transpose_lhs_hint = false} : vector<1024x192xbf16>, vector<192x19xbf16>, vector<1024x19xf32> -> vector<1024x19xf32>
    %dot_general3A_197 = arith.constant dense<0.000000e+00> : vector<1024x19xf32>
    %dot_general3A_198 = tpu.matmul %convert_element_type3A_193, %convert_element_type3A_194, %dot_general3A_197 {dimension_numbers = #tpu.dot_dimension_numbers<[1], [0], [0], [1], [0, 0, 1, 1], [], []>, transpose_lhs_hint = false} : vector<1024x192xbf16>, vector<192x19xbf16>, vector<1024x19xf32> -> vector<1024x19xf32>
    %add3A_199 = arith.addf %dot_general3A_196, %dot_general3A_198 : vector<1024x19xf32>
    %get3A_200 = arith.constant 0 : index
    %get3A_201 = arith.constant 0 : index
    %get3A_202 = vector.load %arg17[%get3A_200, %get3A_201] : memref<1x19xf32, #tpu.memory_space<vmem>>, vector<1x19xf32>
    %add3A_203 = vector.broadcast %get3A_202 : vector<1x19xf32> to vector<1024x19xf32>
    %add3A_204 = arith.addf %add3A_199, %add3A_203 : vector<1024x19xf32>
    %convert_element_type3A_205 = arith.truncf %max3A_186 : vector<1024x192xf32> to vector<1024x192xbf16>
    %convert_element_type3A_206 = arith.extf %convert_element_type3A_205 : vector<1024x192xbf16> to vector<1024x192xf32>
    %sub3A_207 = arith.subf %max3A_186, %convert_element_type3A_206 : vector<1024x192xf32>
    %convert_element_type3A_208 = arith.truncf %sub3A_207 : vector<1024x192xf32> to vector<1024x192xbf16>
    %get3A_209 = arith.constant 0 : index
    %get3A_210 = arith.constant 0 : index
    %get3A_211 = vector.load %arg18[%get3A_209, %get3A_210] : memref<192x1xf32, #tpu.memory_space<vmem>>, vector<192x1xf32>
    %convert_element_type3A_212 = arith.truncf %get3A_211 : vector<192x1xf32> to vector<192x1xbf16>
    %get3A_213 = arith.constant 0 : index
    %get3A_214 = arith.constant 0 : index
    %get3A_215 = vector.load %arg18[%get3A_213, %get3A_214] : memref<192x1xf32, #tpu.memory_space<vmem>>, vector<192x1xf32>
    %convert_element_type3A_216 = arith.extf %convert_element_type3A_212 : vector<192x1xbf16> to vector<192x1xf32>
    %sub3A_217 = arith.subf %get3A_215, %convert_element_type3A_216 : vector<192x1xf32>
    %convert_element_type3A_218 = arith.truncf %sub3A_217 : vector<192x1xf32> to vector<192x1xbf16>
    %dot_general3A_219 = arith.constant dense<0.000000e+00> : vector<1024x1xf32>
    %dot_general3A_220 = tpu.matmul %convert_element_type3A_205, %convert_element_type3A_212, %dot_general3A_219 {dimension_numbers = #tpu.dot_dimension_numbers<[1], [0], [0], [1], [0, 0, 1, 1], [], []>, transpose_lhs_hint = false} : vector<1024x192xbf16>, vector<192x1xbf16>, vector<1024x1xf32> -> vector<1024x1xf32>
    %dot_general3A_221 = arith.constant dense<0.000000e+00> : vector<1024x1xf32>
    %dot_general3A_222 = tpu.matmul %convert_element_type3A_205, %convert_element_type3A_218, %dot_general3A_221 {dimension_numbers = #tpu.dot_dimension_numbers<[1], [0], [0], [1], [0, 0, 1, 1], [], []>, transpose_lhs_hint = false} : vector<1024x192xbf16>, vector<192x1xbf16>, vector<1024x1xf32> -> vector<1024x1xf32>
    %add3A_223 = arith.addf %dot_general3A_220, %dot_general3A_222 : vector<1024x1xf32>
    %dot_general3A_224 = arith.constant dense<0.000000e+00> : vector<1024x1xf32>
    %dot_general3A_225 = tpu.matmul %convert_element_type3A_208, %convert_element_type3A_212, %dot_general3A_224 {dimension_numbers = #tpu.dot_dimension_numbers<[1], [0], [0], [1], [0, 0, 1, 1], [], []>, transpose_lhs_hint = false} : vector<1024x192xbf16>, vector<192x1xbf16>, vector<1024x1xf32> -> vector<1024x1xf32>
    %add3A_226 = arith.addf %add3A_223, %dot_general3A_225 : vector<1024x1xf32>
    %get3A_227 = arith.constant 0 : index
    %get3A_228 = arith.constant 0 : index
    %get3A_229 = vector.load %arg19[%get3A_227, %get3A_228] : memref<1x1xf32, #tpu.memory_space<vmem>>, vector<1x1xf32>
    %add3A_230 = vector.broadcast %get3A_229 : vector<1x1xf32> to vector<1024x1xf32>
    %add3A_231 = arith.addf %add3A_226, %add3A_230 : vector<1024x1xf32>
    %concatenate3A = tpu.concatenate %add3A_204, %add3A_231 in 1 : vector<1024x19xf32>, vector<1024x1xf32> -> vector<1024x20xf32>
    %swap3A = arith.constant 0 : index
    %swap3A_232 = arith.constant 0 : index
    %swap3A_233 = vector.load %arg20[%swap3A, %swap3A_232] : memref<1024x20xf32, #tpu.memory_space<vmem>>, vector<1024x20xf32>
    tpu.vector_store %arg20[%swap3A, %swap3A_232], %concatenate3A {strides = array<i32>} : memref<1024x20xf32, #tpu.memory_space<vmem>>, vector<1024x20xf32>,
    return
  }
  func.func @transform_0(%arg0: i32) -> (i32, i32, i32) {
    %c0_i32 = arith.constant 0 : i32
    %c0_i32_0 = arith.constant 0 : i32
    %c0_i32_1 = arith.constant 0 : i32
    return %arg0, %c0_i32, %c0_i32_0 : i32, i32, i32
  }
  func.func @transform_1(%arg0: i32) -> (i32, i32, i32) {
    %c1_i32 = arith.constant 1 : i32
    %c0_i32 = arith.constant 0 : i32
    %c0_i32_0 = arith.constant 0 : i32
    return %arg0, %c1_i32, %c0_i32 : i32, i32, i32
  }
  func.func @transform_2(%arg0: i32) -> (i32, i32, i32) {
    %c2_i32 = arith.constant 2 : i32
    %c0_i32 = arith.constant 0 : i32
    %c0_i32_0 = arith.constant 0 : i32
    return %arg0, %c2_i32, %c0_i32 : i32, i32, i32
  }
  func.func @transform_3(%arg0: i32) -> (i32, i32, i32) {
    %c3_i32 = arith.constant 3 : i32
    %c0_i32 = arith.constant 0 : i32
    %c0_i32_0 = arith.constant 0 : i32
    return %arg0, %c3_i32, %c0_i32 : i32, i32, i32
  }
  func.func @transform_4(%arg0: i32) -> (i32, i32) {
    %c0_i32 = arith.constant 0 : i32
    %c0_i32_0 = arith.constant 0 : i32
    return %arg0, %c0_i32 : i32, i32
  }
  func.func @transform_5(%arg0: i32) -> (i32, i32) {
    %c0_i32 = arith.constant 0 : i32
    %c0_i32_0 = arith.constant 0 : i32
    %c0_i32_1 = arith.constant 0 : i32
    return %c0_i32, %c0_i32_0 : i32, i32
  }
  func.func @transform_6(%arg0: i32) -> (i32, i32) {
    %c0_i32 = arith.constant 0 : i32
    %c0_i32_0 = arith.constant 0 : i32
    %c0_i32_1 = arith.constant 0 : i32
    return %c0_i32, %c0_i32_0 : i32, i32
  }
  func.func @transform_7(%arg0: i32) -> (i32, i32) {
    %c0_i32 = arith.constant 0 : i32
    %c0_i32_0 = arith.constant 0 : i32
    %c0_i32_1 = arith.constant 0 : i32
    return %c0_i32, %c0_i32_0 : i32, i32
  }
  func.func @transform_8(%arg0: i32) -> (i32, i32) {
    %c0_i32 = arith.constant 0 : i32
    %c0_i32_0 = arith.constant 0 : i32
    %c0_i32_1 = arith.constant 0 : i32
    return %c0_i32, %c0_i32_0 : i32, i32
  }
  func.func @transform_9(%arg0: i32) -> (i32, i32) {
    %c0_i32 = arith.constant 0 : i32
    %c0_i32_0 = arith.constant 0 : i32
    %c0_i32_1 = arith.constant 0 : i32
    return %c0_i32, %c0_i32_0 : i32, i32
  }
  func.func @transform_10(%arg0: i32) -> (i32, i32) {
    %c0_i32 = arith.constant 0 : i32
    %c0_i32_0 = arith.constant 0 : i32
    %c0_i32_1 = arith.constant 0 : i32
    return %c0_i32, %c0_i32_0 : i32, i32
  }
  func.func @transform_11(%arg0: i32) -> (i32, i32) {
    %c0_i32 = arith.constant 0 : i32
    %c0_i32_0 = arith.constant 0 : i32
    %c0_i32_1 = arith.constant 0 : i32
    return %c0_i32, %c0_i32_0 : i32, i32
  }
  func.func @transform_12(%arg0: i32) -> (i32, i32) {
    %c0_i32 = arith.constant 0 : i32
    %c0_i32_0 = arith.constant 0 : i32
    %c0_i32_1 = arith.constant 0 : i32
    return %c0_i32, %c0_i32_0 : i32, i32
  }
  func.func @transform_13(%arg0: i32) -> (i32, i32) {
    %c0_i32 = arith.constant 0 : i32
    %c0_i32_0 = arith.constant 0 : i32
    %c0_i32_1 = arith.constant 0 : i32
    return %c0_i32, %c0_i32_0 : i32, i32
  }
  func.func @transform_14(%arg0: i32) -> (i32, i32) {
    %c0_i32 = arith.constant 0 : i32
    %c0_i32_0 = arith.constant 0 : i32
    %c0_i32_1 = arith.constant 0 : i32
    return %c0_i32, %c0_i32_0 : i32, i32
  }
  func.func @transform_15(%arg0: i32) -> (i32, i32) {
    %c0_i32 = arith.constant 0 : i32
    %c0_i32_0 = arith.constant 0 : i32
    %c0_i32_1 = arith.constant 0 : i32
    return %c0_i32, %c0_i32_0 : i32, i32
  }
  func.func @transform_16(%arg0: i32) -> (i32, i32) {
    %c0_i32 = arith.constant 0 : i32
    %c0_i32_0 = arith.constant 0 : i32
    %c0_i32_1 = arith.constant 0 : i32
    return %c0_i32, %c0_i32_0 : i32, i32
  }
  func.func @transform_17(%arg0: i32) -> (i32, i32) {
    %c0_i32 = arith.constant 0 : i32
    %c0_i32_0 = arith.constant 0 : i32
    %c0_i32_1 = arith.constant 0 : i32
    return %c0_i32, %c0_i32_0 : i32, i32
  }
  func.func @transform_18(%arg0: i32) -> (i32, i32) {
    %c0_i32 = arith.constant 0 : i32
    %c0_i32_0 = arith.constant 0 : i32
    %c0_i32_1 = arith.constant 0 : i32
    return %c0_i32, %c0_i32_0 : i32, i32
  }
  func.func @transform_19(%arg0: i32) -> (i32, i32) {
    %c0_i32 = arith.constant 0 : i32
    %c0_i32_0 = arith.constant 0 : i32
    return %arg0, %c0_i32 : i32, i32
  }
}

</mosaic_0001>

<sc_bundles>
// kernel: kernel.4.cloned.1.call-start
scs
__scs_entry_jumppad:
0x0: {  	(pc) =	sbr.rel $0x88, $3  }
0x1: {  	(tag) =	ssettag $0x0;
	lr =	simm.s32 $0x1  }
0x2: {  	[smem:$0x3F90] =	sst lr;
	_ =	strace $0xD0000000  }
0x3: {  	_ = 	snop  }
0x4: {  	_ = 	snop  }
0x5: {  	_ = 	snop  }
0x6: {  	_ = 	snop  }
0x7: {  	_ = 	snop  }
__scs_overlays_trampoline_lowered:
0x8: {  	[smem:$0x3F9F] =	sst s0  }
0x9: {  	[smem:$0x3FA0] =	sst s1  }
0xa: {  	[smem:$0x3FA1] =	sst s2  }
0xb: {  	[smem:$0x3FA2] =	sst s3  }
0xc: {  	[smem:$0x3FA3] =	sst s4  }
0xd: {  	[smem:$0x3FA4] =	sst s5  }
0xe: {  	[smem:$0x3FA5] =	sst s6  }
0xf: {  	[smem:$0x3FA6] =	sst s7  }
0x10: {  	[smem:$0x3FA7] =	sst s8  }
0x11: {  	[smem:$0x3FA8] =	sst s9;
	s0 =	simm.s32 @!p0 $0x0  }
0x12: {  	s1 =	sld [smem:$0x3F8E];
	s0 =	simm.s32 @p0 $0x1  }
0x13: {  	[smem:$0x3FA9] =	sst s0;
	s0 =	simm.s32 @!p1 $0x0  }
0x14: {  	s2 =	sld [smem:$0x3F8D];
	s0 =	simm.s32 @p1 $0x1  }
0x15: {  	[smem:$0x3FAA] =	sst s0;
	s0 =	simm.s32 @!p2 $0x0  }
0x16: {  	s3 =	sld [smem:$0x3FDB];
	s0 =	simm.s32 @p2 $0x1  }
0x17: {  	s4 =	simm.s32 $0x1BF5;
	[smem:$0x3FAC] =	sst s0  }
0x18: {  	s0 =	sld [smem:$0x3F8F];
	_ =	swait.ge [sflag:s4], $0x0  }
0x19: {  	s7 =	sld [smem:$0x3F90]  }
0x1a: {  	s8 =	sadd.s32 $0xFFFFE003, lr  }
0x1b: {  	s9 =	sadd.s32 $0xFFFFFEF7, lr;
	s5 =	simm.s32 $0xFFFFFFFF;
	p2 =	slt.u32 s8, $0xFFFFF086  }
0x1c: {  	p1 =	slt.u32 s9, $0xF7A;
	s5 =	simm.s32 @!p2 $0x0  }
0x1d: {  	s5 =	simm.s32 @p1 $0x1;
	p0 =	seq.s32 s7, s2  }
0x1e: {  	s7 =	smul.u32 @!p0 $0xF7A, s2;
	p2 =	seq.s32 @!p0 s5, $0x0  }
0x1f: {  	s9 =	smul.u32 $0xF7A, s1;
	s8 =	simm.s32 @!p0 $0x1BF5;
	p2 =	por !p2, p0  }
0x20: {  	[sflag:s8] =	ssyncset.s32 @!p0 $0xFFFFF086;
	s6 =	sadd.s32 @!p0 s3, s7;
	s7 =	simm.s32 @!p0 $0x108  }
0x21: {  	s3 =	sadd.s32 s3, s9;
	s6 =	sadd.s32 @!p0 $0x88, s6;
	s7 =	simm.s32 @p2 $0x1082  }
0x22: {  	[simem:s7], [sflag:s8] =	dma.local @!p0 [hbm:s6], $0xF7A  }
0x23: {  	s9 =	sor.u32 $0xD0000000, s2;
	s6 =	simm.s32 $0x108;
	_ =	swait.ge @!p0 [sflag:s8], $0x0  }
0x24: {  	s3 =	sadd.s32 $0x88, s3;
	s6 =	simm.s32 @!p1 $0x1082;
	[sflag:s4] =	ssyncset.s32 $0xFFFFF086  }
0x25: {  	[simem:s6], [sflag:s4] =	dma.local [hbm:s3], $0xF7A  }
0x26: {  	[smem:$0x3F90] =	sst s1;
	(tag) =	ssettag s2;
	_ =	strace s9  }
0x27: {  	s1 =	sld [smem:$0x3FA0]  }
0x28: {  	s2 =	sld [smem:$0x3FA1]  }
0x29: {  	s4 =	sld [smem:$0x3FA3]  }
0x2a: {  	p0 =	seq.s32 s5, $0x0;
	s5 =	sld [smem:$0x3FA4]  }
0x2b: {  	s6 =	sld [smem:$0x3FA5]  }
0x2c: {  	s7 =	sld [smem:$0x3FA6]  }
0x2d: {  	s3 =	simm.s32 $0x108;
	s8 =	sld [smem:$0x3FA7]  }
0x2e: {  	s3 =	simm.s32 @!p0 $0x1082;
	s9 =	sld [smem:$0x3FA8]  }
0x2f: {  	lr =	sadd.s32 s0, s3;
	s0 =	sld [smem:$0x3F9F]  }
0x30: {  	s3 =	sld [smem:$0x3FA2]  }
0x31: {  	[smem:$0x3FAB] =	sst s10  }
0x32: {  	s10 =	sld [smem:$0x3FA9];
	_ =	sdelay $0x3  }
0x33: {  	p0 =	seq.s32 s10, $0x1;
	s10 =	sld [smem:$0x3FAB];
	_ =	sdelay $0x3  }
0x34: {  	[smem:$0x3FAB] =	sst s10  }
0x35: {  	s10 =	sld [smem:$0x3FAA];
	_ =	sdelay $0x3  }
0x36: {  	p1 =	seq.s32 s10, $0x1;
	s10 =	sld [smem:$0x3FAB];
	_ =	sdelay $0x3  }
0x37: {  	[smem:$0x3FAB] =	sst s10  }
0x38: {  	s10 =	sld [smem:$0x3FAC]  }
0x39: {  	_ = 	snop;
	(pc) =	sbr.ind lr, $3  }
0x3a: {  	_ = 	snop  }
0x3b: {  	_ = 	snop  }
0x3c: {  	p2 =	seq.s32 s10, $0x1;
	s10 =	sld [smem:$0x3FAB]  }
0x3d: {  	_ =	shalt  }
0x3e: {  	_ =	shalt  }
0x3f: {  	_ =	shalt  }
0x40: {  	_ =	shalt  }
0x41: {  	_ =	shalt  }
0x42: {  	_ =	shalt  }
0x43: {  	_ =	shalt  }
0x44: {  	_ =	shalt  }
0x45: {  	_ =	shalt  }
0x46: {  	_ =	shalt  }
0x47: {  	_ =	shalt  }
0x48: {  	_ =	shalt  }
0x49: {  	_ =	shalt  }
0x4a: {  	_ =	shalt  }
0x4b: {  	_ =	shalt  }
0x4c: {  	_ =	shalt  }
0x4d: {  	_ =	shalt  }
0x4e: {  	_ =	shalt  }
0x4f: {  	_ =	shalt  }
0x50: {  	_ =	shalt  }
0x51: {  	_ =	shalt  }
0x52: {  	_ =	shalt  }
0x53: {  	_ =	shalt  }
0x54: {  	_ =	shalt  }
0x55: {  	_ =	shalt  }
0x56: {  	_ =	shalt  }
0x57: {  	_ =	shalt  }
0x58: {  	_ =	shalt  }
0x59: {  	_ =	shalt  }
0x5a: {  	_ =	shalt  }
0x5b: {  	_ =	shalt  }
0x5c: {  	_ =	shalt  }
0x5d: {  	_ =	shalt  }
0x5e: {  	_ =	shalt  }
0x5f: {  	_ =	shalt  }
0x60: {  	_ =	shalt  }
0x61: {  	_ =	shalt  }
0x62: {  	_ =	shalt  }
0x63: {  	_ =	shalt  }
0x64: {  	_ =	shalt  }
0x65: {  	_ =	shalt  }
0x66: {  	_ =	shalt  }
0x67: {  	_ =	shalt  }
0x68: {  	_ =	shalt  }
0x69: {  	_ =	shalt  }
0x6a: {  	_ =	shalt  }
0x6b: {  	_ =	shalt  }
0x6c: {  	_ =	shalt  }
0x6d: {  	_ =	shalt  }
0x6e: {  	_ =	shalt  }
0x6f: {  	_ =	shalt  }
0x70: {  	_ =	shalt  }
0x71: {  	_ =	shalt  }
0x72: {  	_ =	shalt  }
0x73: {  	_ =	shalt  }
0x74: {  	_ =	shalt  }
0x75: {  	_ =	shalt  }
0x76: {  	_ =	shalt  }
0x77: {  	_ =	shalt  }
0x78: {  	_ =	shalt  }
0x79: {  	_ =	shalt  }
0x7a: {  	_ =	shalt  }
0x7b: {  	_ =	shalt  }
0x7c: {  	_ =	shalt  }
0x7d: {  	_ =	shalt  }
0x7e: {  	_ =	shalt  }
0x7f: {  	_ =	shalt  }
0x80: {  	_ =	shalt  }
0x81: {  	_ =	shalt  }
0x82: {  	_ =	shalt  }
0x83: {  	_ =	shalt  }
0x84: {  	_ =	shalt  }
0x85: {  	_ =	shalt  }
0x86: {  	_ =	shalt  }
0x87: {  	_ =	shalt  }
.Lfunc_end0:
.L_simem_size_0:
called_computation_lowered:
.L_overlay_start_0:
0x88: {  	s2 =	sld [smem:$0x3FD9]  }
0x89: {  	s3 =	sld [smem:$0x3FFE];
	_ =	sdelay $0x1  }
0x8a: {  	s1 =	srdreg.scid  }
0x8b: {  	s0 =	sand.u32 $0x1, s1  }
0x8c: {  	s14 =	sshll.u32 s0, $0xA;
	s2 =	sadd.s32 s3, s2  }
0x8d: {  	s2 =	sadd.s32 s2, s14  }
0x8e: {  	[smem:$0x3FB7] =	sst s2  }
0x8f: {  	_ = 	snop  }
0x90: {  	s2 =	sld [smem:$0x3FD0];
	_ =	sdelay $0x2  }
0x91: {  	s4 =	simm.s32 $0xA;
	s5 =	simm.s32 $0x10;
	s15 =	sld [smem:$0x3FC5]  }
0x92: {  	[smem:s5], [sflag:s4] =	dma.local [hbm:s2], $0x1  }
0x93: {  	_ =	swait.eq [sflag:s4], $0x1  }
0x94: {  	[sflag:s4] =	ssyncset.done $0x0  }
0x95: {  	[sflag:s4] =	ssyncadd.s32 $0xFFFFFFFF  }
0x96: {  	s16 =	sld [smem:$0x12];
	(tm) =	ssettm $0x1  }
0x97: {  	s17 =	sld [smem:$0x3FFB];
	_ =	sdelay $0x3  }
0x98: {  	_ =	strace s17  }
0x99: {  	s4 =	sld [smem:$0x3FFC];
	_ =	sdelay $0x3  }
0x9a: {  	_ =	strace s4  }
0x9b: {  	s4 =	sld [smem:$0x3FFD];
	_ =	sdelay $0x3  }
0x9c: {  	_ =	strace s4  }
0x9d: {  	_ =	strace $0x8FFFFFFF  }
0x9e: {  	s18 =	sld [smem:$0x3FDB];
	_ =	sdelay $0x1  }
0x9f: {  	s19 =	simm.s32 $_scs_section_size  }
0xa0: {  	s6 =	simm.s32 $_size__tile_overlayer_lowered;
	s7 =	simm.s32 $_tile_overlayer_lowered  }
0xa1: {  	s22 =	simm.s32 $0x1BFF;
	s21 =	sshll.u32 s7, $0x1;
	s4 =	sadd.s32 s19, s18  }
0xa2: {  	s8 =	simm.s32 $0x0;
	s20 =	sshll.u32 s6, $0x1;
	s6 =	sadd.s32 s21, s4  }
0xa3: {  	[timem:s8], [sflag:s22] =	dma.local [hbm:s6], s20  }
0xa4: {  	_ =	swait.ge [sflag:s22], s20  }
0xa5: {  	s5 =	ssub.s32 $0x0, s20;
	[sflag:s22] =	ssyncset.done $0x0  }
0xa6: {  	[sflag:s22] =	ssyncadd.s32 s5;
	_ =	sdelay $0x1  }
0xa7: {  	s23 =	simm.s32 $0x1B8B  }
0xa8: {  	_ =	swait.ge [sflag:s23], $0x1  }
0xa9: {  	[sflag:s23] =	ssyncset.done $0x0  }
0xaa: {  	s25 =	simm.s32 $0x1B8E;
	s24 =	sld [smem:$0x3FFE];
	[sflag:s23] =	ssyncadd.s32 $0xFFFFFFFF  }
0xab: {  	s26 =	simm.s32 $execute0_lowered;
	[smem:$0x3FD2] =	sst s25  }
0xac: {  	s6 =	sshll.u32 s26, $0x1;
	_ =	strace $0x80000046;
	[dreg:$0x1] =	wrdreg $0xFFFFFFFF  }
0xad: {  	s28 =	simm.s32 $_size_execute0_lowered;
	s4 =	sadd.s32 s4, s6;
	[dreg:$0x0] =	wrdreg $0x0  }
0xae: {  	s6 =	sshll.u32 s28, $0x1;
	[dreg:$0x2] =	wrdreg s4  }
0xaf: {  	[dreg:$0x3] =	wrdreg s6  }
0xb0: {  	[dreg:$0x4] =	wrdreg $0xC0  }
0xb1: {  	_ =	task [dreg:s8], $0x5FFFF  }
0xb2: {  	[dreg:$0x1] =	wrdreg $0xFFFFFFFF  }
0xb3: {  	[dreg:$0x0] =	wrdreg $0x60  }
0xb4: {  	[dreg:$0x2] =	wrdreg s24  }
0xb5: {  	[dreg:$0x3] =	wrdreg s15  }
0xb6: {  	[dreg:$0x4] =	wrdreg s16  }
0xb7: {  	[dreg:$0x5] =	wrdreg $0x9  }
0xb8: {  	_ =	task.clear_ibuf [dreg:s8], $0x6FFFF;
	_ =	strace $0x90000046  }
0xb9: {  	s29 =	simm.s32 $0x9;
	_ =	strace $0x80000048  }
0xba: {  	_ =	swait.ge [sflag:s29], $0x1  }
0xbb: {  	[sflag:s29] =	ssyncadd.s32 $0xFFFFFFFF  }
0xbc: {  	_ =	strace $0x90000048  }
0xbd: {  	_ =	sfence  }
0xbe: {  	s30 =	sld [smem:$0x0];
	_ =	sdelay $0x2  }
0xbf: {  	s31 =	sshll.u32 s1, $0xD;
	s1 =	sshrl.u32 s1, $0x2  }
0xc0: {  	s3 =	sand.u32 $0x4000, s31;
	s1 =	sadd.s32 s1, s30  }
0xc1: {  	s0 =	sor.u32 s3, s0;
	s1 =	sshll.u32 s1, $0x11  }
0xc2: {  	s0 =	sor.u32 s1, s0  }
0xc3: {  	s0 =	sadd.s32 $0x8F2B, s0  }
0xc4: {  	[sflag:s0] =	ssyncadd.remote.s32 $0x1  }
0xc5: {  	_ =	sfence.sel $0xFFFF  }
0xc6: {  	[dreg:$0x0] =	wrdreg $0xFFFFFFFF;
	(pc) =	sbr.abs _section_cstart, $3  }
0xc7: {  	[dreg:$0x1] =	wrdreg $0xFFFFFFFF  }
0xc8: {  	_ =	task.clear_ibuf [dreg:s8], $0x2FFFF;
	_ =	strace $0x9FFFFFFF  }
0xc9: {  	(tm) =	ssettm $0x7FFFFFFF  }
tec
execute0_lowered:
.L_overlay_start_1:
0x0: {  	(tag) =	ssettag $0x1  }
0x1: {  	v0 =	vimm.s32 $0x1380;
	vm14 =	vcmask $0x300;
	vm13 =	vcmask $0x704  }
0x2: {  	vm12 =	vcmask $0xB08;
	vm11 =	vcmask $0xF0C;
	vm10 =	vcmask $0x1310  }
0x3: {  	vm9 =	vcmask $0x1714;
	vm8 =	vcmask $0x1B18;
	vm7 =	vcmask $0x1F1C  }
0x4: {  	vm6 =	vcmask $0x2320;
	vm5 =	vcmask $0x2724;
	vm4 =	vcmask $0x2B28  }
0x5: {  	vm3 =	vcmask $0x2F2C;
	vm2 =	vcmask $0x3330;
	vm1 =	vcmask $0x3734  }
0x6: {  	vm0 =	vcmask $0x3B38;
	v2 =	vimm.s32 $0x1B80;
	v3 =	vimm.s32 $0x3380  }
0x7: {  	v4 =	vimm.s32 $0x3B80;
	v7 =	vimm.s32 $0x5B80;
	v8 =	vimm.s32 $0x7380  }
0x8: {  	v9 =	vimm.s32 $0x7B80;
	v10 =	vimm.s32 $0x9380;
	v11 =	vimm.s32 $0x9B80  }
0x9: {  	v12 =	vimm.s32 $0xB380;
	v13 =	vimm.s32 $0xBB80;
	v14 =	vimm.s32 $0xD380  }
0xa: {  	v15 =	vimm.s32 $0xDB80;
	v16 =	vimm.s32 $0xF380;
	v17 =	vimm.s32 $0xFB80  }
0xb: {  	v0 =	vsel vm14, $0x0, v0;
	v2 =	vsel vm14, $0x800, v2;
	v3 =	vsel vm14, $0x2000, v3  }
0xc: {  	v4 =	vsel vm14, $0x2800, v4;
	v7 =	vsel vm14, $0x4800, v7;
	v8 =	vsel vm14, $0x6000, v8  }
0xd: {  	v9 =	vsel vm14, $0x6800, v9;
	v10 =	vsel vm14, $0x8000, v10;
	v11 =	vsel vm14, $0x8800, v11  }
0xe: {  	v12 =	vsel vm14, $0xA000, v12;
	v13 =	vsel vm14, $0xA800, v13;
	v14 =	vsel vm14, $0xC000, v14  }
0xf: {  	v15 =	vsel vm14, $0xC800, v15;
	v16 =	vsel vm14, $0xE000, v16;
	v17 =	vsel vm14, $0xE800, v17  }
0x10: {  	v0 =	vsel vm13, $0x80, v0;
	v2 =	vsel vm13, $0x880, v2;
	v3 =	vsel vm13, $0x2080, v3  }
0x11: {  	v4 =	vsel vm13, $0x2880, v4;
	v7 =	vsel vm13, $0x4880, v7;
	v8 =	vsel vm13, $0x6080, v8  }
0x12: {  	v9 =	vsel vm13, $0x6880, v9;
	v10 =	vsel vm13, $0x8080, v10;
	v11 =	vsel vm13, $0x8880, v11  }
0x13: {  	v12 =	vsel vm13, $0xA080, v12;
	v13 =	vsel vm13, $0xA880, v13;
	v14 =	vsel vm13, $0xC080, v14  }
0x14: {  	v15 =	vsel vm13, $0xC880, v15;
	v16 =	vsel vm13, $0xE080, v16;
	v17 =	vsel vm13, $0xE880, v17  }
0x15: {  	v0 =	vsel vm12, $0x100, v0;
	v2 =	vsel vm12, $0x900, v2;
	v3 =	vsel vm12, $0x2100, v3  }
0x16: {  	v4 =	vsel vm12, $0x2900, v4;
	v7 =	vsel vm12, $0x4900, v7;
	v8 =	vsel vm12, $0x6100, v8  }
0x17: {  	v9 =	vsel vm12, $0x6900, v9;
	v10 =	vsel vm12, $0x8100, v10;
	v11 =	vsel vm12, $0x8900, v11  }
0x18: {  	v12 =	vsel vm12, $0xA100, v12;
	v13 =	vsel vm12, $0xA900, v13;
	v14 =	vsel vm12, $0xC100, v14  }
0x19: {  	v15 =	vsel vm12, $0xC900, v15;
	v16 =	vsel vm12, $0xE100, v16;
	v17 =	vsel vm12, $0xE900, v17  }
0x1a: {  	v0 =	vsel vm11, $0x180, v0;
	v2 =	vsel vm11, $0x980, v2;
	v3 =	vsel vm11, $0x2180, v3  }
0x1b: {  	v4 =	vsel vm11, $0x2980, v4;
	v7 =	vsel vm11, $0x4980, v7;
	v8 =	vsel vm11, $0x6180, v8  }
0x1c: {  	v9 =	vsel vm11, $0x6980, v9;
	v10 =	vsel vm11, $0x8180, v10;
	v11 =	vsel vm11, $0x8980, v11  }
0x1d: {  	v12 =	vsel vm11, $0xA180, v12;
	v13 =	vsel vm11, $0xA980, v13;
	v14 =	vsel vm11, $0xC180, v14  }
0x1e: {  	v15 =	vsel vm11, $0xC980, v15;
	v16 =	vsel vm11, $0xE180, v16;
	v17 =	vsel vm11, $0xE980, v17  }
0x1f: {  	v0 =	vsel vm10, $0x200, v0;
	v2 =	vsel vm10, $0xA00, v2;
	v3 =	vsel vm10, $0x2200, v3  }
0x20: {  	v4 =	vsel vm10, $0x2A00, v4;
	v7 =	vsel vm10, $0x4A00, v7;
	v8 =	vsel vm10, $0x6200, v8  }
0x21: {  	v9 =	vsel vm10, $0x6A00, v9;
	v10 =	vsel vm10, $0x8200, v10;
	v11 =	vsel vm10, $0x8A00, v11  }
0x22: {  	v12 =	vsel vm10, $0xA200, v12;
	v13 =	vsel vm10, $0xAA00, v13;
	v14 =	vsel vm10, $0xC200, v14  }
0x23: {  	v15 =	vsel vm10, $0xCA00, v15;
	v16 =	vsel vm10, $0xE200, v16;
	v17 =	vsel vm10, $0xEA00, v17  }
0x24: {  	v0 =	vsel vm9, $0x280, v0;
	v2 =	vsel vm9, $0xA80, v2;
	v3 =	vsel vm9, $0x2280, v3  }
0x25: {  	v4 =	vsel vm9, $0x2A80, v4;
	v7 =	vsel vm9, $0x4A80, v7;
	v8 =	vsel vm9, $0x6280, v8  }
0x26: {  	v9 =	vsel vm9, $0x6A80, v9;
	v10 =	vsel vm9, $0x8280, v10;
	v11 =	vsel vm9, $0x8A80, v11  }
0x27: {  	v12 =	vsel vm9, $0xA280, v12;
	v13 =	vsel vm9, $0xAA80, v13;
	v14 =	vsel vm9, $0xC280, v14  }
0x28: {  	v15 =	vsel vm9, $0xCA80, v15;
	v16 =	vsel vm9, $0xE280, v16;
	v17 =	vsel vm9, $0xEA80, v17  }
0x29: {  	v0 =	vsel vm8, $0x300, v0;
	v2 =	vsel vm8, $0xB00, v2;
	v3 =	vsel vm8, $0x2300, v3  }
0x2a: {  	v4 =	vsel vm8, $0x2B00, v4;
	v7 =	vsel vm8, $0x4B00, v7;
	v8 =	vsel vm8, $0x6300, v8  }
0x2b: {  	v9 =	vsel vm8, $0x6B00, v9;
	v10 =	vsel vm8, $0x8300, v10;
	v11 =	vsel vm8, $0x8B00, v11  }
0x2c: {  	v12 =	vsel vm8, $0xA300, v12;
	v13 =	vsel vm8, $0xAB00, v13;
	v14 =	vsel vm8, $0xC300, v14  }
0x2d: {  	v15 =	vsel vm8, $0xCB00, v15;
	v16 =	vsel vm8, $0xE300, v16;
	v17 =	vsel vm8, $0xEB00, v17  }
0x2e: {  	v0 =	vsel vm7, $0x380, v0;
	v2 =	vsel vm7, $0xB80, v2;
	v3 =	vsel vm7, $0x2380, v3  }
0x2f: {  	v4 =	vsel vm7, $0x2B80, v4;
	v7 =	vsel vm7, $0x4B80, v7;
	v8 =	vsel vm7, $0x6380, v8  }
0x30: {  	v9 =	vsel vm7, $0x6B80, v9;
	v10 =	vsel vm7, $0x8380, v10;
	v11 =	vsel vm7, $0x8B80, v11  }
0x31: {  	v12 =	vsel vm7, $0xA380, v12;
	v13 =	vsel vm7, $0xAB80, v13;
	v14 =	vsel vm7, $0xC380, v14  }
0x32: {  	v15 =	vsel vm7, $0xCB80, v15;
	v16 =	vsel vm7, $0xE380, v16;
	v17 =	vsel vm7, $0xEB80, v17  }
0x33: {  	v0 =	vsel vm6, $0x1000, v0;
	v2 =	vsel vm6, $0x1800, v2;
	v3 =	vsel vm6, $0x3000, v3  }
0x34: {  	v4 =	vsel vm6, $0x3800, v4;
	v7 =	vsel vm6, $0x5800, v7;
	v8 =	vsel vm6, $0x7000, v8  }
0x35: {  	v9 =	vsel vm6, $0x7800, v9;
	v10 =	vsel vm6, $0x9000, v10;
	v11 =	vsel vm6, $0x9800, v11  }
0x36: {  	v12 =	vsel vm6, $0xB000, v12;
	v13 =	vsel vm6, $0xB800, v13;
	v14 =	vsel vm6, $0xD000, v14  }
0x37: {  	v15 =	vsel vm6, $0xD800, v15;
	v16 =	vsel vm6, $0xF000, v16;
	v17 =	vsel vm6, $0xF800, v17  }
0x38: {  	v0 =	vsel vm5, $0x1080, v0;
	v2 =	vsel vm5, $0x1880, v2;
	v3 =	vsel vm5, $0x3080, v3  }
0x39: {  	v4 =	vsel vm5, $0x3880, v4;
	v7 =	vsel vm5, $0x5880, v7;
	v8 =	vsel vm5, $0x7080, v8  }
0x3a: {  	v9 =	vsel vm5, $0x7880, v9;
	v10 =	vsel vm5, $0x9080, v10;
	v11 =	vsel vm5, $0x9880, v11  }
0x3b: {  	v12 =	vsel vm5, $0xB080, v12;
	v13 =	vsel vm5, $0xB880, v13;
	v14 =	vsel vm5, $0xD080, v14  }
0x3c: {  	v15 =	vsel vm5, $0xD880, v15;
	v16 =	vsel vm5, $0xF080, v16;
	v17 =	vsel vm5, $0xF880, v17  }
0x3d: {  	v0 =	vsel vm4, $0x1100, v0;
	v2 =	vsel vm4, $0x1900, v2;
	v3 =	vsel vm4, $0x3100, v3  }
0x3e: {  	v4 =	vsel vm4, $0x3900, v4;
	v7 =	vsel vm4, $0x5900, v7;
	v8 =	vsel vm4, $0x7100, v8  }
0x3f: {  	v9 =	vsel vm4, $0x7900, v9;
	v10 =	vsel vm4, $0x9100, v10;
	v11 =	vsel vm4, $0x9900, v11  }
0x40: {  	v12 =	vsel vm4, $0xB100, v12;
	v13 =	vsel vm4, $0xB900, v13;
	v14 =	vsel vm4, $0xD100, v14  }
0x41: {  	v15 =	vsel vm4, $0xD900, v15;
	v16 =	vsel vm4, $0xF100, v16;
	v17 =	vsel vm4, $0xF900, v17  }
0x42: {  	v0 =	vsel vm3, $0x1180, v0;
	v2 =	vsel vm3, $0x1980, v2;
	v3 =	vsel vm3, $0x3180, v3  }
0x43: {  	v4 =	vsel vm3, $0x3980, v4;
	v7 =	vsel vm3, $0x5980, v7;
	v8 =	vsel vm3, $0x7180, v8  }
0x44: {  	v9 =	vsel vm3, $0x7980, v9;
	v10 =	vsel vm3, $0x9180, v10;
	v11 =	vsel vm3, $0x9980, v11  }
0x45: {  	v12 =	vsel vm3, $0xB180, v12;
	v13 =	vsel vm3, $0xB980, v13;
	v14 =	vsel vm3, $0xD180, v14  }
0x46: {  	v15 =	vsel vm3, $0xD980, v15;
	v16 =	vsel vm3, $0xF180, v16;
	v17 =	vsel vm3, $0xF980, v17  }
0x47: {  	v0 =	vsel vm2, $0x1200, v0;
	v2 =	vsel vm2, $0x1A00, v2;
	v3 =	vsel vm2, $0x3200, v3  }
0x48: {  	v4 =	vsel vm2, $0x3A00, v4;
	v7 =	vsel vm2, $0x5A00, v7;
	v8 =	vsel vm2, $0x7200, v8  }
0x49: {  	v9 =	vsel vm2, $0x7A00, v9;
	v10 =	vsel vm2, $0x9200, v10;
	v11 =	vsel vm2, $0x9A00, v11  }
0x4a: {  	v12 =	vsel vm2, $0xB200, v12;
	v13 =	vsel vm2, $0xBA00, v13;
	v14 =	vsel vm2, $0xD200, v14  }
0x4b: {  	v15 =	vsel vm2, $0xDA00, v15;
	v5 =	vsel vm1, $0x3280, v3;
	v6 =	vsel vm1, $0x3A80, v4  }
0x4c: {  	v4 =	vsel vm0, $0x3300, v5;
	v5 =	vsel vm0, $0x3B00, v6;
	v6 =	vimm.s32 $0x5380  }
0x4d: {  	s8 =	rddreg [dreg:$0x0];
	v16 =	vsel vm2, $0xF200, v16;
	v17 =	vsel vm2, $0xFA00, v17;
	v6 =	vsel vm14, $0x4000, v6  }
0x4e: {  	s0 =	rddreg [dreg:$0x1];
	v1 =	vsel vm1, $0x1280, v0;
	v0 =	vimm.f32 $0.0e+00;
	v6 =	vsel vm13, $0x4080, v6  }
0x4f: {  	s9 =	rddreg [dreg:$0x2];
	v2 =	vsel vm1, $0x1A80, v2;
	v3 =	vimm.f32 $1.000000000e+00;
	v6 =	vsel vm12, $0x4100, v6  }
0x50: {  	s1 =	rddreg [dreg:$0x3];
	v7 =	vsel vm1, $0x5A80, v7;
	v8 =	vsel vm1, $0x7280, v8;
	v6 =	vsel vm11, $0x4180, v6  }
0x51: {  	s2 =	simm.s32 $0x0;
	s4 =	srdreg.scid;
	s3 =	stileid.u32;
	v9 =	vsel vm1, $0x7A80, v9;
	v10 =	vsel vm1, $0x9280, v10;
	v6 =	vsel vm10, $0x4200, v6  }
0x52: {  	s13 =	simm.s32 $0x400;
	s14 =	simm.s32 $0x20000;
	s15 =	simm.s32 $0x1400;
	v11 =	vsel vm1, $0x9A80, v11;
	v12 =	vsel vm1, $0xB280, v12;
	v6 =	vsel vm9, $0x4280, v6  }
0x53: {  	s16 =	simm.s32 $0x2800;
	s17 =	simm.s32 $0x2;
	s18 =	simm.s32 $0x3;
	v13 =	vsel vm1, $0xBA80, v13;
	v14 =	vsel vm1, $0xD280, v14;
	v6 =	vsel vm8, $0x4300, v6  }
0x54: {  	s19 =	simm.s32 $0x4;
	s20 =	simm.s32 $0x3D00;
	s21 =	simm.s32 $0x3E00;
	v15 =	vsel vm1, $0xDA80, v15;
	v16 =	vsel vm1, $0xF280, v16;
	v6 =	vsel vm7, $0x4380, v6  }
0x55: {  	s22 =	simm.s32 $0x1;
	s23 =	simm.s32 $0x13E00;
	s24 =	simm.s32 $0x0;
	v17 =	vsel vm1, $0xFA80, v17;
	v1 =	vsel vm0, $0x1300, v1;
	v6 =	vsel vm6, $0x5000, v6  }
0x56: {  	[smem:$0x7FF] =	sst s2;
	s6 =	sand.u32 $0x1, s4;
	s4 =	sadd.s32 $0xCAA00, s8;
	v2 =	vsel vm0, $0x1B00, v2;
	v7 =	vsel vm0, $0x5B00, v7;
	v6 =	vsel vm5, $0x5080, v6  }
0x57: {  	s7 =	sshll.u32 s3, $0xA;
	s5 =	sadd.s32 $0x66A00, s8;
	s10 =	sshll.u32 s6, $0x9;
	v8 =	vsel vm0, $0x7300, v8;
	v9 =	vsel vm0, $0x7B00, v9;
	v6 =	vsel vm4, $0x5100, v6  }
0x58: {  	_ =	strace $0x80000047;
	s11 =	ssub.s32 $0x2, s6;
	s6 =	sor.u32 s10, s7;
	v10 =	vsel vm0, $0x9300, v10;
	v11 =	vsel vm0, $0x9B00, v11;
	v6 =	vsel vm3, $0x5180, v6  }
0x59: {  	s7 =	sadd.s32 $0x2A00, s8;
	s31 =	sshrl.u32 s11, $0x1;
	s8 =	sadd.s32 $0x12EA00, s8;
	v12 =	vsel vm0, $0xB300, v12;
	v13 =	vsel vm0, $0xBB00, v13;
	v6 =	vsel vm2, $0x5200, v6  }
0x5a: {  	s12 =	sshrl.u32 s6, $0x3;
	s10 =	ssub.s32 s11, s31;
	s11 =	simm.s32 $0x3C00;
	v14 =	vsel vm0, $0xD300, v14;
	v15 =	vsel vm0, $0xDB00, v15;
	v6 =	vsel vm1, $0x5280, v6  }
0x5b: {  	s9 =	sadd.s32 s9, s12;
	s10 =	smax.u32 s10, $0x1;
	s12 =	simm.s32 $0x5;
	v16 =	vsel vm0, $0xF300, v16;
	v17 =	vsel vm0, $0xFB00, v17;
	v6 =	vsel vm0, $0x5300, v6  }
.LBB2_1:
0x5c: {  	[tilespmem:s11], [sflag:$0x5] =	stream.linear.gather [hbm4b:s0+s2], $0x100, $0x38;
	[tilespmem:$0x14000] =	vst v63  }
0x5d: {  	_ =	swait.ge [sflag:s12], $0x100  }
0x5e: {  	[sflag:s12] =	ssyncset.done $0x0  }
0x5f: {  	[sflag:s12] =	ssyncadd.s32 $0xFFFFFF00  }
0x60: {  	[tilespmem:$0x13E00] =	vst v0  }
0x61: {  	[tilespmem:$0x13E10] =	vst v0  }
0x62: {  	[tilespmem:$0x13E20] =	vst v0  }
0x63: {  	[tilespmem:$0x13E30] =	vst v0  }
0x64: {  	[tilespmem:$0x13E40] =	vst v0  }
0x65: {  	[tilespmem:$0x13E50] =	vst v0  }
0x66: {  	[tilespmem:$0x13E60] =	vst v0  }
0x67: {  	[tilespmem:$0x13E70] =	vst v0  }
0x68: {  	[tilespmem:$0x13E80] =	vst v0  }
0x69: {  	[tilespmem:$0x13E90] =	vst v0  }
0x6a: {  	[tilespmem:$0x13EA0] =	vst v0  }
0x6b: {  	[tilespmem:$0x13EB0] =	vst v0  }
0x6c: {  	[tilespmem:$0x13EC0] =	vst v0  }
0x6d: {  	[tilespmem:$0x13ED0] =	vst v0  }
0x6e: {  	v18 =	vld [tilespmem:$0x3C00];
	[tilespmem:$0x13EE0] =	vst v0  }
0x6f: {  	v19 =	vld [tilespmem:$0x3C10];
	[tilespmem:$0x13EF0] =	vst v0  }
0x70: {  	v20 =	vld [tilespmem:$0x3C20];
	[tilespmem:$0x13F00] =	vst v0  }
0x71: {  	v21 =	vld [tilespmem:$0x3C30];
	[tilespmem:$0x13F10] =	vst v0  }
0x72: {  	v22 =	vld [tilespmem:$0x3C40];
	[tilespmem:$0x13F20] =	vst v0  }
0x73: {  	v23 =	vld [tilespmem:$0x3C50];
	[tilespmem:$0x13F30] =	vst v0;
	v18 =	vadd.f32 $9.999999970e-07, v18  }
0x74: {  	v24 =	vld [tilespmem:$0x3C60];
	[tilespmem:$0x13F40] =	vst v0;
	v19 =	vadd.f32 $9.999999970e-07, v19  }
0x75: {  	v50 =	vld [tilespmem:$0x3C70];
	[tilespmem:$0x13F50] =	vst v0;
	(erf) = vrcp.f32 v18;
	v18 =	vadd.f32 $9.999999970e-07, v20  }
0x76: {  	v51 =	vld [tilespmem:$0x3C80];
	[tilespmem:$0x13F60] =	vst v0;
	(erf) = vrcp.f32 v19;
	v19 =	vadd.f32 $9.999999970e-07, v21  }
0x77: {  	v52 =	vld [tilespmem:$0x3C90];
	[tilespmem:$0x13F70] =	vst v0;
	(erf) = vrcp.f32 v18;
	v18 =	vadd.f32 $9.999999970e-07, v22  }
0x78: {  	v53 =	vld [tilespmem:$0x3CA0];
	[tilespmem:$0x13F80] =	vst v0;
	(erf) = vrcp.f32 v19;
	v19 =	vadd.f32 $9.999999970e-07, v23  }
0x79: {  	v54 =	vld [tilespmem:$0x3CB0];
	[tilespmem:$0x13F90] =	vst v0;
	(erf) = vrcp.f32 v18;
	v18 =	vadd.f32 $9.999999970e-07, v24  }
0x7a: {  	v55 =	vld [tilespmem:$0x3CC0];
	[tilespmem:$0x13FA0] =	vst v0;
	(erf) = vrcp.f32 v19;
	v19 =	vadd.f32 $9.999999970e-07, v50  }
0x7b: {  	v56 =	vld [tilespmem:$0x3CD0];
	[tilespmem:$0x13FB0] =	vst v0;
	(erf) = vrcp.f32 v18;
	v18 =	vadd.f32 $9.999999970e-07, v51  }
0x7c: {  	v57 =	vld [tilespmem:$0x3CE0];
	[tilespmem:$0x13FC0] =	vst v0;
	(erf) = vrcp.f32 v19;
	v19 =	vadd.f32 $9.999999970e-07, v52  }
0x7d: {  	v58 =	vld [tilespmem:$0x3CF0];
	[tilespmem:$0x13FD0] =	vst v0;
	(erf) = vrcp.f32 v18;
	v18 =	vadd.f32 $9.999999970e-07, v53  }
0x7e: {  	[tilespmem:$0x13FE0] =	vst v0;
	v25 =	vpop (erf);
	(erf) = vrcp.f32 v19;
	v19 =	vadd.f32 $9.999999970e-07, v54  }
0x7f: {  	[tilespmem:$0x13FF0] =	vst v0;
	v59 =	vpop (erf);
	(erf) = vrcp.f32 v18;
	v18 =	vadd.f32 $9.999999970e-07, v55  }
0x80: {  	[tilespmem:$0x3D00] =	vst v25;
	v60 =	vpop (erf);
	(erf) = vrcp.f32 v19;
	v19 =	vadd.f32 $9.999999970e-07, v56  }
0x81: {  	[tilespmem:$0x3D10] =	vst v59;
	v61 =	vpop (erf);
	(erf) = vrcp.f32 v18;
	v18 =	vadd.f32 $9.999999970e-07, v57  }
0x82: {  	[tilespmem:$0x3D20] =	vst v60;
	v62 =	vpop (erf);
	(erf) = vrcp.f32 v19;
	v19 =	vadd.f32 $9.999999970e-07, v58  }
0x83: {  	[tilespmem:$0x3D30] =	vst v61  }
0x84: {  	[tilespmem:$0x3D40] =	vst v62;
	v63 =	vpop (erf);
	(erf) = vrcp.f32 v18  }
0x85: {  	[tilespmem:$0x3D50] =	vst v63;
	v18 =	vpop (erf);
	(erf) = vrcp.f32 v19  }
0x86: {  	v19 =	vpop (erf);
	[tilespmem:$0x3D60] =	vst v18  }
0x87: {  	v18 =	vpop (erf);
	[tilespmem:$0x3D70] =	vst v19  }
0x88: {  	v19 =	vpop (erf);
	[tilespmem:$0x3D80] =	vst v18  }
0x89: {  	v18 =	vpop (erf);
	[tilespmem:$0x3D90] =	vst v19  }
0x8a: {  	v19 =	vpop (erf);
	[tilespmem:$0x3DA0] =	vst v18  }
0x8b: {  	v18 =	vpop (erf);
	[tilespmem:$0x3DB0] =	vst v19  }
0x8c: {  	v19 =	vpop (erf);
	[tilespmem:$0x3DC0] =	vst v18  }
0x8d: {  	v18 =	vpop (erf);
	[tilespmem:$0x3DD0] =	vst v19  }
0x8e: {  	[tilespmem:$0x3DE0] =	vst v18;
	v18 =	vpop (erf)  }
0x8f: {  	s25 =	simm.s32 $0x0;
	[tilespmem:$0x3DF0] =	vst v18  }
.LBB2_2:
0x90: {  	s26 =	simm.s32 $0x3E40  }
0x91: {  	[tilespmem:s26+$0xFFFFFFC0] =	vst v0  }
0x92: {  	[tilespmem:s26+$0x30] =	vst v0  }
0x93: {  	[tilespmem:s26+$0x20] =	vst v0  }
0x94: {  	[tilespmem:s26+$0x10] =	vst v0  }
0x95: {  	[tilespmem:s26+$0x0] =	vst v0  }
0x96: {  	[tilespmem:s26+$0xFFFFFFF0] =	vst v0  }
0x97: {  	s28 =	simm.s32 $0x0;
	[tilespmem:s26+$0xFFFFFFE0] =	vst v0  }
.LBB2_3:
0x98: {  	s28 =	sadd.s32 $0x8, s28;
	[tilespmem:s26+$0xFFFFFFD0] =	vst v0;
	s26 =	sadd.s32 $0x80, s26  }
0x99: {  	[tilespmem:s26+$0xFFFFFFC0] =	vst v0;
	p0 =	slt.u32 s28, $0xFF8  }
0x9a: {  	[tilespmem:s26+$0x30] =	vst v0  }
.Ltmp0:
0x9b: {  	[tilespmem:s26+$0x20] =	vst v0;
	(pc) =	sbr.rel @p0 .LBB2_3-.Ltmp0, $4  }
0x9c: {  	[tilespmem:s26+$0x10] =	vst v0  }
0x9d: {  	[tilespmem:s26+$0x0] =	vst v0  }
0x9e: {  	[tilespmem:s26+$0xFFFFFFF0] =	vst v0  }
0x9f: {  	[tilespmem:s26+$0xFFFFFFE0] =	vst v0  }
0xa0: {  	s28 =	sshll.u32 s25, $0x7  }
0xa1: {  	[tilespmem:s26+$0xFFFFFFD0] =	vst v0;
	s29 =	simm.s32 $0x0;
	s26 =	sadd.s32 s6, s28;
	s28 =	sand.u32 $0x3FFFFF80, s28  }
.LBB2_5:
0xa2: {  	s30 =	smul.u32 $0x14000, s29;
	_ =	sdelay $0x1  }
0xa3: {  	s30 =	sadd.s32 s26, s30  }
0xa4: {  	s31 =	sadd.s32 s4, s30  }
0xa5: {  	[tilespmem:s2], [sflag:$0x2] =	stream.strided.gather [hbm4b:s31+s13], $0x1400, s14, s13, $0x38;
	[tilespmem:$0x14000] =	vst v63  }
0xa6: {  	s31 =	sadd.s32 s5, s30  }
0xa7: {  	[tilespmem:s15], [sflag:$0x3] =	stream.strided.gather [hbm4b:s31+s13], $0x1400, s14, s13, $0x38;
	[tilespmem:$0x14000] =	vst v63  }
0xa8: {  	s30 =	sadd.s32 s7, s30  }
0xa9: {  	[tilespmem:s16], [sflag:$0x4] =	stream.strided.gather [hbm4b:s30+s13], $0x1400, s14, s13, $0x38;
	[tilespmem:$0x14000] =	vst v63  }
0xaa: {  	_ =	swait.ge [sflag:s17], $0x1400  }
0xab: {  	[sflag:s17] =	ssyncset.done $0x0  }
0xac: {  	[sflag:s17] =	ssyncadd.s32 $0xFFFFEC00  }
0xad: {  	_ =	swait.ge [sflag:s18], $0x1400  }
0xae: {  	[sflag:s18] =	ssyncset.done $0x0  }
0xaf: {  	[sflag:s18] =	ssyncadd.s32 $0xFFFFEC00  }
0xb0: {  	v18 =	vimm.f32 $0.0e+00;
	v19 =	vimm.f32 $0.0e+00;
	_ =	swait.ge [sflag:s19], $0x1400  }
0xb1: {  	v20 =	vimm.f32 $0.0e+00;
	v21 =	vimm.f32 $0.0e+00;
	v22 =	vimm.f32 $0.0e+00;
	[sflag:s19] =	ssyncset.done $0x0  }
0xb2: {  	v23 =	vimm.f32 $0.0e+00;
	v24 =	vimm.f32 $0.0e+00;
	v25 =	vimm.f32 $0.0e+00;
	s30 =	simm.s32 $0xFFFFB000;
	[sflag:s19] =	ssyncadd.s32 $0xFFFFEC00  }
.LBB2_6:
0xb3: {  	s31 =	sshra.s32 s30, $0x2  }
0xb4: {  	v26 =	vld [tilespmem:s31+$0x2800];
	_ =	sdelay $0x4  }
0xb5: {  	vm0 =	vgt.s32 v26, $0x0  }
0xb6: {  	v27 =	vld [tilespmem:s31+$0x1400];
	v26 =	vnsel vm0, $0x0, v26  }
0xb7: {  	v26 =	vmin.u32 v26, $0xFF;
	_ =	sdelay $0x1  }
0xb8: {  	v28 =	vld [tilespmem:s31+$0x3C00];
	_ =	sdelay $0x1  }
0xb9: {  	v29 =	vshll.u32 v27, $0x3  }
0xba: {  	v31 =	vand.u32 $0x7F, v27;
	v29 =	vand.u32 $0x400, v29;
	v32 =	vshll.u32 v26, $0x3;
	v30 =	vld.idx.msk [tilespmem:v26+s20+$0x0], $0xffff  }
0xbb: {  	v29 =	vor.u32 v29, v31;
	v32 =	vand.u32 $0x400, v32;
	v26 =	vand.u32 $0x7F, v26  }
0xbc: {  	v28 =	vcvt.s32.f32 v28;
	v29 =	vor.u32 v1, v29;
	v26 =	vor.u32 v32, v26  }
0xbd: {  	vm15 =	veq.s32 v27, $0xFF;
	v26 =	vor.u32 v2, v26  }
0xbe: {  	v27 =	vsel vm15, $0x0, v28  }
0xbf: {  	v27 =	vmul.f32 v27, v30;
	_ =	sdelay $0x1  }
0xc0: {  	[tilespmem:v29+s21+$0x0] =	vst.idx.add.f32.msk $0xffff, v27  }
0xc1: {  	[tilespmem:v26+s21+$0x0] =	vst.idx.add.f32.msk $0xffff, v27  }
0xc2: {  	v26 =	vld [tilespmem:s31+$0x2810];
	_ =	sdelay $0x4  }
0xc3: {  	vm1 =	vgt.s32 v26, $0x0  }
0xc4: {  	v27 =	vld [tilespmem:s31+$0x1410];
	v26 =	vnsel vm1, $0x0, v26  }
0xc5: {  	v26 =	vmin.u32 v26, $0xFF;
	_ =	sdelay $0x1  }
0xc6: {  	v53 =	vld [tilespmem:s31+$0x3C10];
	_ =	sdelay $0x1  }
0xc7: {  	v54 =	vshll.u32 v27, $0x3  }
0xc8: {  	v56 =	vand.u32 $0x7F, v27;
	v29 =	vand.u32 $0x400, v54;
	v57 =	vshll.u32 v26, $0x3;
	v55 =	vld.idx.msk [tilespmem:v26+s20+$0x0], $0xffff  }
0xc9: {  	v29 =	vor.u32 v29, v56;
	v32 =	vand.u32 $0x400, v57;
	v26 =	vand.u32 $0x7F, v26  }
0xca: {  	v28 =	vcvt.s32.f32 v53;
	v29 =	vor.u32 v4, v29;
	v26 =	vor.u32 v32, v26  }
0xcb: {  	vm9 =	veq.s32 v27, $0xFF;
	v26 =	vor.u32 v5, v26  }
0xcc: {  	v27 =	vsel vm9, $0x0, v28  }
0xcd: {  	v27 =	vmul.f32 v27, v55;
	_ =	sdelay $0x1  }
0xce: {  	[tilespmem:v29+s21+$0x0] =	vst.idx.add.f32.msk $0xffff, v27  }
0xcf: {  	[tilespmem:v26+s21+$0x0] =	vst.idx.add.f32.msk $0xffff, v27  }
0xd0: {  	v26 =	vld [tilespmem:s31+$0x2820];
	_ =	sdelay $0x4  }
0xd1: {  	vm2 =	vgt.s32 v26, $0x0  }
0xd2: {  	v27 =	vld [tilespmem:s31+$0x1420];
	v26 =	vnsel vm2, $0x0, v26  }
0xd3: {  	v26 =	vmin.u32 v26, $0xFF;
	_ =	sdelay $0x1  }
0xd4: {  	v58 =	vld [tilespmem:s31+$0x3C20];
	_ =	sdelay $0x1  }
0xd5: {  	v59 =	vshll.u32 v27, $0x3  }
0xd6: {  	v61 =	vand.u32 $0x7F, v27;
	v29 =	vand.u32 $0x400, v59;
	v62 =	vshll.u32 v26, $0x3;
	v60 =	vld.idx.msk [tilespmem:v26+s20+$0x0], $0xffff  }
0xd7: {  	v29 =	vor.u32 v29, v61;
	v32 =	vand.u32 $0x400, v62;
	v26 =	vand.u32 $0x7F, v26  }
0xd8: {  	v28 =	vcvt.s32.f32 v58;
	v29 =	vor.u32 v6, v29;
	v26 =	vor.u32 v32, v26  }
0xd9: {  	vm10 =	veq.s32 v27, $0xFF;
	v26 =	vor.u32 v7, v26  }
0xda: {  	v27 =	vsel vm10, $0x0, v28  }
0xdb: {  	v27 =	vmul.f32 v27, v60;
	_ =	sdelay $0x1  }
0xdc: {  	[tilespmem:v29+s21+$0x0] =	vst.idx.add.f32.msk $0xffff, v27  }
0xdd: {  	[tilespmem:v26+s21+$0x0] =	vst.idx.add.f32.msk $0xffff, v27  }
0xde: {  	v26 =	vld [tilespmem:s31+$0x2830];
	_ =	sdelay $0x4  }
0xdf: {  	vm3 =	vgt.s32 v26, $0x0  }
0xe0: {  	v27 =	vld [tilespmem:s31+$0x1430];
	v26 =	vnsel vm3, $0x0, v26  }
0xe1: {  	v26 =	vmin.u32 v26, $0xFF;
	_ =	sdelay $0x1  }
0xe2: {  	v63 =	vld [tilespmem:s31+$0x3C30];
	_ =	sdelay $0x1  }
0xe3: {  	v36 =	vshll.u32 v27, $0x3  }
0xe4: {  	v38 =	vand.u32 $0x7F, v27;
	v29 =	vand.u32 $0x400, v36;
	v39 =	vshll.u32 v26, $0x3;
	v37 =	vld.idx.msk [tilespmem:v26+s20+$0x0], $0xffff  }
0xe5: {  	v29 =	vor.u32 v29, v38;
	v32 =	vand.u32 $0x400, v39;
	v26 =	vand.u32 $0x7F, v26  }
0xe6: {  	v28 =	vcvt.s32.f32 v63;
	v29 =	vor.u32 v8, v29;
	v26 =	vor.u32 v32, v26  }
0xe7: {  	vm11 =	veq.s32 v27, $0xFF;
	v26 =	vor.u32 v9, v26  }
0xe8: {  	v27 =	vsel vm11, $0x0, v28  }
0xe9: {  	v27 =	vmul.f32 v27, v37;
	_ =	sdelay $0x1  }
0xea: {  	[tilespmem:v29+s21+$0x0] =	vst.idx.add.f32.msk $0xffff, v27  }
0xeb: {  	[tilespmem:v26+s21+$0x0] =	vst.idx.add.f32.msk $0xffff, v27  }
0xec: {  	v26 =	vld [tilespmem:s31+$0x2840];
	_ =	sdelay $0x4  }
0xed: {  	vm4 =	vgt.s32 v26, $0x0  }
0xee: {  	v27 =	vld [tilespmem:s31+$0x1440];
	v26 =	vnsel vm4, $0x0, v26  }
0xef: {  	v26 =	vmin.u32 v26, $0xFF;
	_ =	sdelay $0x1  }
0xf0: {  	v40 =	vld [tilespmem:s31+$0x3C40];
	_ =	sdelay $0x1  }
0xf1: {  	v41 =	vshll.u32 v27, $0x3  }
0xf2: {  	v43 =	vand.u32 $0x7F, v27;
	v29 =	vand.u32 $0x400, v41;
	v44 =	vshll.u32 v26, $0x3;
	v42 =	vld.idx.msk [tilespmem:v26+s20+$0x0], $0xffff  }
0xf3: {  	v29 =	vor.u32 v29, v43;
	v32 =	vand.u32 $0x400, v44;
	v26 =	vand.u32 $0x7F, v26  }
0xf4: {  	v28 =	vcvt.s32.f32 v40;
	v29 =	vor.u32 v10, v29;
	v26 =	vor.u32 v32, v26  }
0xf5: {  	vm12 =	veq.s32 v27, $0xFF;
	v26 =	vor.u32 v11, v26  }
0xf6: {  	v27 =	vsel vm12, $0x0, v28  }
0xf7: {  	v27 =	vmul.f32 v27, v42;
	_ =	sdelay $0x1  }
0xf8: {  	[tilespmem:v29+s21+$0x0] =	vst.idx.add.f32.msk $0xffff, v27  }
0xf9: {  	[tilespmem:v26+s21+$0x0] =	vst.idx.add.f32.msk $0xffff, v27  }
0xfa: {  	v26 =	vld [tilespmem:s31+$0x2850];
	_ =	sdelay $0x4  }
0xfb: {  	vm5 =	vgt.s32 v26, $0x0  }
0xfc: {  	v27 =	vld [tilespmem:s31+$0x1450];
	v26 =	vnsel vm5, $0x0, v26  }
0xfd: {  	v26 =	vmin.u32 v26, $0xFF;
	_ =	sdelay $0x1  }
0xfe: {  	v45 =	vld [tilespmem:s31+$0x3C50];
	_ =	sdelay $0x1  }
0xff: {  	v46 =	vshll.u32 v27, $0x3  }
0x100: {  	v48 =	vand.u32 $0x7F, v27;
	v29 =	vand.u32 $0x400, v46;
	v49 =	vshll.u32 v26, $0x3;
	v47 =	vld.idx.msk [tilespmem:v26+s20+$0x0], $0xffff  }
0x101: {  	v29 =	vor.u32 v29, v48;
	v32 =	vand.u32 $0x400, v49;
	v26 =	vand.u32 $0x7F, v26  }
0x102: {  	v28 =	vcvt.s32.f32 v45;
	v29 =	vor.u32 v12, v29;
	v26 =	vor.u32 v32, v26  }
0x103: {  	vm13 =	veq.s32 v27, $0xFF;
	v26 =	vor.u32 v13, v26  }
0x104: {  	v27 =	vsel vm13, $0x0, v28  }
0x105: {  	v27 =	vmul.f32 v27, v47;
	_ =	sdelay $0x1  }
0x106: {  	[tilespmem:v29+s21+$0x0] =	vst.idx.add.f32.msk $0xffff, v27  }
0x107: {  	[tilespmem:v26+s21+$0x0] =	vst.idx.add.f32.msk $0xffff, v27  }
0x108: {  	v26 =	vld [tilespmem:s31+$0x2860];
	_ =	sdelay $0x4  }
0x109: {  	vm6 =	vgt.s32 v26, $0x0  }
0x10a: {  	v27 =	vld [tilespmem:s31+$0x1460];
	v26 =	vnsel vm6, $0x0, v26  }
0x10b: {  	v26 =	vmin.u32 v26, $0xFF;
	_ =	sdelay $0x1  }
0x10c: {  	v50 =	vld [tilespmem:s31+$0x3C60];
	_ =	sdelay $0x1  }
0x10d: {  	v51 =	vshll.u32 v27, $0x3  }
0x10e: {  	v53 =	vand.u32 $0x7F, v27;
	v29 =	vand.u32 $0x400, v51;
	v54 =	vshll.u32 v26, $0x3;
	v52 =	vld.idx.msk [tilespmem:v26+s20+$0x0], $0xffff  }
0x10f: {  	v29 =	vor.u32 v29, v53;
	v32 =	vand.u32 $0x400, v54;
	v26 =	vand.u32 $0x7F, v26  }
0x110: {  	v28 =	vcvt.s32.f32 v50;
	v29 =	vor.u32 v14, v29;
	v26 =	vor.u32 v32, v26  }
0x111: {  	vm14 =	veq.s32 v27, $0xFF;
	v26 =	vor.u32 v15, v26  }
0x112: {  	v27 =	vsel vm14, $0x0, v28  }
0x113: {  	v27 =	vmul.f32 v27, v52;
	_ =	sdelay $0x1  }
0x114: {  	[tilespmem:v29+s21+$0x0] =	vst.idx.add.f32.msk $0xffff, v27  }
0x115: {  	[tilespmem:v26+s21+$0x0] =	vst.idx.add.f32.msk $0xffff, v27  }
0x116: {  	v26 =	vld [tilespmem:s31+$0x2870];
	_ =	sdelay $0x4  }
0x117: {  	vm7 =	vgt.s32 v26, $0x0  }
0x118: {  	v27 =	vld [tilespmem:s31+$0x1470];
	v26 =	vnsel vm7, $0x0, v26  }
0x119: {  	v26 =	vmin.u32 v26, $0xFF;
	_ =	sdelay $0x1  }
0x11a: {  	v55 =	vld [tilespmem:s31+$0x3C70]  }
0x11b: {  	v56 =	vsel vm15, $0x0, v3  }
0x11c: {  	v25 =	vadd.f32 v56, v25;
	v57 =	vsel vm9, $0x0, v3;
	v59 =	vshll.u32 v27, $0x3  }
0x11d: {  	v34 =	vand.u32 $0x7F, v27;
	v32 =	vand.u32 $0x400, v59;
	v35 =	vshll.u32 v26, $0x3;
	v33 =	vld.idx.msk [tilespmem:v26+s20+$0x0], $0xffff  }
0x11e: {  	v32 =	vor.u32 v32, v34;
	v60 =	vand.u32 $0x400, v35;
	v26 =	vand.u32 $0x7F, v26  }
0x11f: {  	v28 =	vcvt.s32.f32 v55;
	v32 =	vor.u32 v16, v32;
	v26 =	vor.u32 v60, v26  }
0x120: {  	p0 =	sne.s32 s30, $0xFFFFFE00;
	v58 =	vsel vm10, $0x0, v3;
	vm15 =	veq.s32 v27, $0xFF;
	v26 =	vor.u32 v17, v26  }
.Ltmp1:
0x121: {  	v24 =	vadd.f32 v57, v24;
	v23 =	vadd.f32 v58, v23;
	v28 =	vsel vm15, $0x0, v28;
	(pc) =	sbr.rel @p0 .LBB2_6-.Ltmp1, $4  }
0x122: {  	v61 =	vsel vm11, $0x0, v3;
	v62 =	vsel vm13, $0x0, v3;
	v28 =	vmul.f32 v28, v33  }
0x123: {  	v22 =	vadd.f32 v61, v22;
	v20 =	vadd.f32 v62, v20;
	v27 =	vsel vm12, $0x0, v3  }
0x124: {  	v63 =	vsel vm14, $0x0, v3;
	v21 =	vadd.f32 v27, v21;
	v27 =	vsel vm15, $0x0, v3;
	[tilespmem:v32+s21+$0x0] =	vst.idx.add.f32.msk $0xffff, v28  }
0x125: {  	s30 =	sadd.s32 $0x200, s30;
	v19 =	vadd.f32 v63, v19;
	v18 =	vadd.f32 v27, v18;
	[tilespmem:v26+s21+$0x0] =	vst.idx.add.f32.msk $0xffff, v28  }
0x126: {  	v26 =	vld [tilespmem:s28+$0x13E00]  }
0x127: {  	v27 =	vld [tilespmem:s28+$0x13E10]  }
0x128: {  	v28 =	vld [tilespmem:s28+$0x13E20]  }
0x129: {  	v29 =	vld [tilespmem:s28+$0x13E30]  }
0x12a: {  	v30 =	vld [tilespmem:s28+$0x13E40]  }
0x12b: {  	v61 =	vld [tilespmem:s28+$0x13E50];
	v25 =	vadd.f32 v26, v25  }
0x12c: {  	v62 =	vld [tilespmem:s28+$0x13E60];
	v24 =	vadd.f32 v27, v24  }
0x12d: {  	v63 =	vld [tilespmem:s28+$0x13E70];
	v23 =	vadd.f32 v28, v23;
	[tilespmem:s28+$0x13E00] =	vst v25  }
0x12e: {  	s29 =	sadd.s32 $0x1, s29;
	v22 =	vadd.f32 v29, v22;
	[tilespmem:s28+$0x13E10] =	vst v24  }
0x12f: {  	p0 =	sne.s32 s29, $0x5;
	v21 =	vadd.f32 v30, v21;
	[tilespmem:s28+$0x13E20] =	vst v23  }
.Ltmp2:
0x130: {  	v20 =	vadd.f32 v61, v20;
	[tilespmem:s28+$0x13E30] =	vst v22;
	(pc) =	sbr.rel @p0 .LBB2_5-.Ltmp2, $4  }
0x131: {  	v19 =	vadd.f32 v62, v19;
	[tilespmem:s28+$0x13E40] =	vst v21  }
0x132: {  	v18 =	vadd.f32 v63, v18;
	[tilespmem:s28+$0x13E50] =	vst v20  }
0x133: {  	[tilespmem:s28+$0x13E60] =	vst v19  }
0x134: {  	[tilespmem:s28+$0x13E70] =	vst v18  }
0x135: {  	s25 =	sadd.s32 $0x1, s25  }
0x136: {  	s26 =	sshll.u32 s26, $0x6;
	p0 =	sne.s32 s25, $0x4  }
.Ltmp3:
0x137: {  	s26 =	sadd.s32 s8, s26;
	(pc) =	sbr.rel @p0 .LBB2_2-.Ltmp3, $4  }
0x138: {  	[hbm4b:s26+s2] =	stream.linear.scatter [tilespmem:s21], [sflag:$0x1], $0x10000, $0x38;
	[tilespmem:$0x14000] =	vst v63  }
0x139: {  	_ =	swait.ge [sflag:s22], $0x10000  }
0x13a: {  	[sflag:s22] =	ssyncset.done $0x0  }
0x13b: {  	[sflag:s22] =	ssyncadd.s32 $0xFFFF0000  }
0x13c: {  	s24 =	sadd.s32 $0x1, s24  }
0x13d: {  	p0 =	sne.s32 s24, s10  }
.Ltmp4:
0x13e: {  	_ = 	snop;
	(pc) =	sbr.rel @p0 .LBB2_1-.Ltmp4, $4  }
0x13f: {  	[hbm4b:s9+s2] =	stream.linear.scatter [tilespmem:s23], [sflag:$0x5], $0x200, $0x38;
	[tilespmem:$0x14000] =	vst v63  }
0x140: {  	_ =	swait.ge [sflag:s12], $0x200  }
0x141: {  	[sflag:s12] =	ssyncset.done $0x0  }
0x142: {  	[sflag:s12] =	ssyncadd.s32 $0xFFFFFE00  }
0x143: {  	_ =	sfence.sel $0x180000  }
0x144: {  	[bflag:$0x0] =	sbarrier.arrive $0xFFFF  }
0x145: {  	p0 =	sne.s32 s3, $0x0;
	_ =	strace $0x90000047  }
0x146: {  	s0 =	sadd.s32 @!p0 $0x100000, s1;
	[bflag:$0x2] =	sbarrier.arrive $0xFFFF  }
0x147: {  	[sflag:s0] =	ssyncadd.tile.s32 @!p0 $0x1;
	_ =	shalt  }
.Lfunc_end2:
_tile_overlayer_lowered:
.L_overlay_start_2:
0x148: {  	(tag) =	ssettag $0x2  }
0x149: {  	s0 =	rddreg [dreg:$0x0];
	s2 =	stileid.u32  }
0x14a: {  	s1 =	rddreg [dreg:$0x1];
	p0 =	sne.s32 s2, $0x0  }
0x14b: {  	s3 =	rddreg [dreg:$0x2];
	[bflag:$0x3] =	sbarrier.arrive $0xFFFF;
	s2 =	simm.s32 @!p0 $0x1C05  }
0x14c: {  	[timem:s3], [sflag:s2] =	dma.local @!p0 [hbm:s0], s1  }
0x14d: {  	s0 =	simm.s32 @!p0 $0x5  }
0x14e: {  	_ =	swait.ge @!p0 [sflag:s0], s1  }
0x14f: {  	s1 =	ssub.s32 @!p0 $0x0, s1;
	[sflag:s0] =	ssyncset.done @!p0 $0x0  }
0x150: {  	[sflag:s0] =	ssyncadd.s32 @!p0 s1  }
0x151: {  	[bflag:$0x3] =	sbarrier.arrive $0xFFFF  }
0x152: {  	_ =	shalt  }

</sc_bundles>
